<compile_context>
chip_gen: v7x
topology: tpu7x:2x2x1
jax: 0.10.2.dev20260603
libtpu: 0.0.44.dev20260713+nightly
codegen_flags: <defaults>
</compile_context>

<pallas_src>
import jax
import jax.numpy as jnp
from jax import lax
from jax.experimental import pallas as pl
from jax.experimental.pallas import tpu as pltpu
from jax.experimental.pallas import tpu_sc as plsc

_T = 8192
_H = 256
_S = 8
_D1 = 64
_BT = 4096
_NW = 32
_TPW = _T // _NW
_HALO = 8
_LANES = 16


def _tc_stage(h_ref, w1t_ref, twr_ref, wst_ref, bcol_ref, w2x_ref,
              cu_ref, b2_ref, bs_ref, gps_ref):
    i = pl.program_id(0)
    h = h_ref[...]
    wst = wst_ref[...]
    wcat = jnp.concatenate(
        [w1t_ref[...] * twr_ref[...], wst, -wst], axis=0)
    y = lax.dot_general(wcat, h, (((1,), (1,)), ((), ())),
                        preferred_element_type=jnp.float32)
    r = jnp.maximum(y + bcol_ref[...], 0.0)
    gp = jnp.dot(w2x_ref[...], r, preferred_element_type=jnp.float32)
    bias2 = jnp.concatenate(
        [jnp.full((1, 1), b2_ref[0], jnp.float32),
         jnp.full((1, 1), bs_ref[0], jnp.float32)], axis=0)
    pos = i * _BT + lax.broadcasted_iota(jnp.int32, (1, _BT), 1)
    se = jnp.zeros((1, _BT), jnp.int32)
    for k in range(1, 9):
        se = jnp.where(pos >= cu_ref[k - 1], cu_ref[k] - 1, se)
    gps_ref[...] = jnp.concatenate([gp + bias2, se.astype(jnp.float32)], axis=0)


def _sc_span(gps_hbm, out_hbm, g_v, p_v, se_v, out_v, sem):
    wid = lax.axis_index("s") * 2 + lax.axis_index("c")
    base = wid * _TPW
    d = jnp.where(wid == _NW - 1, 128, 0)
    cps = [
        pltpu.async_copy(gps_hbm.at[pl.ds(base - d, _TPW + 128)],
                         g_v.at[pl.ds(0, _TPW + 128)], sem),
        pltpu.async_copy(gps_hbm.at[pl.ds(_T + base - d, _TPW + 128)],
                         p_v.at[pl.ds(0, _TPW + 128)], sem),
        pltpu.async_copy(gps_hbm.at[pl.ds(2 * _T + base - d, _TPW + 128)],
                         se_v.at[pl.ds(0, _TPW + 128)], sem),
    ]
    for cp in cps:
        cp.wait()
    lanes = lax.iota(jnp.int32, _LANES)

    @plsc.parallel_loop(0, _TPW // _LANES, step=1, unroll=4)
    def chunk(c):
        off = c * _LANES
        se = se_v[pl.ds(off + d, _LANES)]
        pos = (base + off + lanes).astype(jnp.float32)
        m = None
        ssum = None
        ws = None
        for l in range(_S):
            s_l = g_v[pl.ds(off + l + d, _LANES)]
            v_l = p_v[pl.ds(off + l + d, _LANES)]
            valid = (pos + jnp.float32(l)) <= se
            s_l = jnp.where(valid, s_l, jnp.float32(-1e30))
            v_l = jnp.where(valid, v_l, jnp.float32(0.0))
            if l == 0:
                m = s_l
                ssum = jnp.full((_LANES,), 1.0, jnp.float32)
                ws = v_l
            else:
                m2 = jnp.maximum(m, s_l)
                c1 = jnp.exp(m - m2)
                a = jnp.exp(s_l - m2)
                ssum = ssum * c1 + a
                ws = ws * c1 + a * v_l
                m = m2
            out_v[l, pl.ds(off, _LANES)] = ws / ssum

    pltpu.sync_copy(out_v, out_hbm.at[:, pl.ds(base, _TPW)])


def kernel(hidden, cu_seqlens, term_weight, W1, b1, W2, b2, Ws, bs):
    grid = _T // _BT
    w2x = jnp.concatenate(
        [jnp.concatenate([W2[:, 0], jnp.zeros((2,), jnp.float32)])[None, :],
         jnp.concatenate([jnp.zeros((_D1,), jnp.float32),
                          jnp.ones((1,), jnp.float32),
                          -jnp.ones((1,), jnp.float32)])[None, :]], axis=0)
    bcol = jnp.concatenate([b1, jnp.zeros((2,), jnp.float32)])[:, None]
    gps = pl.pallas_call(
        _tc_stage,
        grid=(grid,),
        in_specs=[
            pl.BlockSpec((_BT, _H), lambda i: (i, 0)),
            pl.BlockSpec((_D1, _H), lambda i: (0, 0)),
            pl.BlockSpec((1, _H), lambda i: (0, 0)),
            pl.BlockSpec((1, _H), lambda i: (0, 0)),
            pl.BlockSpec((_D1 + 2, 1), lambda i: (0, 0)),
            pl.BlockSpec((2, _D1 + 2), lambda i: (0, 0)),
            pl.BlockSpec(memory_space=pltpu.SMEM),
            pl.BlockSpec(memory_space=pltpu.SMEM),
            pl.BlockSpec(memory_space=pltpu.SMEM),
        ],
        out_specs=pl.BlockSpec((3, _BT), lambda i: (0, i)),
        out_shape=jax.ShapeDtypeStruct((3, _T), jnp.float32),
    )(hidden, W1.T, term_weight[None, :], Ws.T, bcol, w2x,
      cu_seqlens, b2, bs)

    sc_call = pl.kernel(
        _sc_span,
        out_type=jax.ShapeDtypeStruct((_S, _T), jnp.float32),
        mesh=plsc.VectorSubcoreMesh(core_axis_name="c", subcore_axis_name="s"),
        scratch_types=[
            pltpu.VMEM((_TPW + 144,), jnp.float32),
            pltpu.VMEM((_TPW + 144,), jnp.float32),
            pltpu.VMEM((_TPW + 144,), jnp.float32),
            pltpu.VMEM((_S, _TPW), jnp.float32),
            pltpu.SemaphoreType.DMA,
        ],
    )
    return sc_call(gps.reshape(3 * _T)).T

# --- scband reference (transcript-rebuilt; emitter-appended) ---
"""Pipeline reference for scband-span-sequnce-9878424781362 (READ-ONLY COPY).

The authoritative reference and input builder live on the scoring server;
editing this copy changes nothing except your own understanding.
"""

import jax, jax.numpy as jnp
import numpy as np

T, H, B, S = 8192, 256, 8, 8  # total_tokens, hidden_dim, batch, max_span

def setup_inputs(seed: int = 0) -> dict:
    key = jax.random.key(seed)
    ks = jax.random.split(key, 8)
    lens = np.array([512, 1536, 2048, 768, 1280, 512, 896, 640], dtype=np.int32)
    assert int(lens.sum()) == T
    cu_seqlens = jnp.asarray(np.concatenate([[0], np.cumsum(lens)]).astype(np.int32))
    hidden = jax.random.normal(ks[0], (T, H), jnp.float32)
    # TermAttention params
    term_weight = jax.random.normal(ks[1], (H,), jnp.float32)
    W1 = jax.random.normal(ks[2], (H, 64), jnp.float32) / np.sqrt(H)
    b1 = jnp.zeros((64,), jnp.float32)
    W2 = jax.random.normal(ks[3], (64, 1), jnp.float32) / 8.0
    b2 = jnp.zeros((1,), jnp.float32)
    # spanEmb2Score params
    Ws = jax.random.normal(ks[4], (H, 1), jnp.float32) / np.sqrt(H)
    bs = jnp.zeros((1,), jnp.float32)
    return {"hidden": hidden, "cu_seqlens": cu_seqlens, "term_weight": term_weight,
            "W1": W1, "b1": b1, "W2": W2, "b2": b2, "Ws": Ws, "bs": bs}

def reference(hidden, cu_seqlens, term_weight, W1, b1, W2, b2, Ws, bs):
    # Vectorized equivalent of get_candidate_span_pairs + get_span_hiddens +
    # get_span_emb (TermAttention per span) + get_term_score.
    # Span (t, l): tokens t .. min(t+l, sent_end(t)), for l in 0..S-1.
    pos = jnp.arange(T)
    seg = jnp.searchsorted(cu_seqlens, pos, side='right') - 1  # segment id per token
    sent_end = cu_seqlens[seg + 1] - 1                         # last global idx of sentence
    offs = jnp.arange(S)
    # gather span windows (clip indices in-bounds; invalid positions masked below)
    tok_idx = jnp.minimum(pos[:, None] + offs[None, :], sent_end[:, None])  # [T,S]
    span_h = hidden[tok_idx]                                   # [T,S,H] gather
    # TermAttention scoring: (h * termWeight) -> Linear(H,64) -> ReLU -> Linear(64,1)
    att_h = span_h * term_weight
    s1 = jax.nn.relu(att_h @ W1 + b1)
    scores = (s1 @ W2 + b2)[..., 0]                            # [T,S]
    valid = (pos[:, None] + offs[None, :]) <= sent_end[:, None]  # [T,S]
    within = offs[:, None] >= offs[None, :]                    # [S(l),S(j)] j<=l
    mask = within[None, :, :] & valid[:, None, :]              # [T,S,S]
    masked = jnp.where(mask, scores[:, None, :], -jnp.inf)
    w = jax.nn.softmax(masked, axis=-1)                        # softmax over span tokens (dim=0 in torch)
    condensed = jnp.einsum('tlj,tjh->tlh', w, span_h)          # [T,S,H] span embeddings
    span_scores = (condensed @ Ws + bs)[..., 0]                # [T,S] term scores
    return span_scores

if __name__ == "__main__":
    import jax
    _d = setup_inputs()
    print(jax.jit(kernel)(*tuple(_d.values())))

</pallas_src>

<mosaic_0001>
#map = affine_map<(d0, d1) -> (0)>
#map1 = affine_map<(d0, d1) -> (0, 0)>
module attributes {stable_mosaic.version = 14 : i64} {
  func.func @_sc_span(%arg0: i32, %arg1: i32, %arg2: memref<24576xf32, #tpu.memory_space<hbm>>, %arg3: memref<8x8192xf32, #tpu.memory_space<hbm>>, %arg4: memref<400xf32, #tpu.memory_space<vmem>>, %arg5: memref<400xf32, #tpu.memory_space<vmem>>, %arg6: memref<400xf32, #tpu.memory_space<vmem>>, %arg7: memref<8x256xf32, #tpu.memory_space<vmem>>, %arg8: memref<!tpu.dma_semaphore, #tpu.memory_space<semaphore_mem>>) attributes {dimension_semantics = [#tpu.dimension_semantics<core_parallel>, #tpu.dimension_semantics<subcore_parallel>], iteration_bounds = array<i64: 2, 16>, scalar_prefetch = 0 : i64, scratch_operands = 5 : i64, tpu.core_type = #tpu.core_type<sc_vector_subcore>, window_params = [{transform_indices = #map}, {transform_indices = #map1}]} {
    %mul3A = arith.constant 2 : i32
    %mul3A_0 = arith.muli %arg1, %mul3A : i32
    %add3A = arith.addi %mul3A_0, %arg0 : i32
    %mul3A_1 = arith.constant 256 : i32
    %mul3A_2 = arith.muli %add3A, %mul3A_1 : i32
    %eq3A = arith.constant 31 : i32
    %eq3A_3 = arith.cmpi eq, %add3A, %eq3A : i32
    %jit3A = arith.constant 128 : i32
    %jit3A_4 = arith.constant 0 : i32
    %select_n3A = arith.select %eq3A_3, %jit3A, %jit3A_4 : i32
    %sub3A = arith.subi %mul3A_2, %select_n3A : i32
    %dma_start3A = arith.constant 0 : i32
    %dma_start3A_5 = tpu.memref_slice %arg4[%dma_start3A] : memref<400xf32, #tpu.memory_space<vmem>> -> memref<384xf32, #tpu.memory_space<vmem>>
    %dma_start3A_6 = tpu.memref_slice %arg2[%sub3A] : memref<24576xf32, #tpu.memory_space<hbm>> -> memref<384xf32, #tpu.memory_space<hbm>>
    %dma_start3A_7 = arith.constant 0 : i32
    %dma_start3A_8 = tpu.memref_slice %arg4[%dma_start3A_7] : memref<400xf32, #tpu.memory_space<vmem>> -> memref<384xf32, #tpu.memory_space<vmem>>
    %dma_start3A_9 = tpu.memref_slice %arg2[%sub3A] : memref<24576xf32, #tpu.memory_space<hbm>> -> memref<384xf32, #tpu.memory_space<hbm>>
    tpu.enqueue_dma source(%dma_start3A_9 : memref<384xf32, #tpu.memory_space<hbm>>) target(%dma_start3A_8 : memref<384xf32, #tpu.memory_space<vmem>>) target_semaphore(%arg8 : memref<!tpu.dma_semaphore, #tpu.memory_space<semaphore_mem>>)
    %add3A_10 = arith.constant 8192 : i32
    %add3A_11 = arith.addi %add3A_10, %mul3A_2 : i32
    %sub3A_12 = arith.subi %add3A_11, %select_n3A : i32
    %dma_start3A_13 = arith.constant 0 : i32
    %dma_start3A_14 = tpu.memref_slice %arg5[%dma_start3A_13] : memref<400xf32, #tpu.memory_space<vmem>> -> memref<384xf32, #tpu.memory_space<vmem>>
    %dma_start3A_15 = tpu.memref_slice %arg2[%sub3A_12] : memref<24576xf32, #tpu.memory_space<hbm>> -> memref<384xf32, #tpu.memory_space<hbm>>
    %dma_start3A_16 = arith.constant 0 : i32
    %dma_start3A_17 = tpu.memref_slice %arg5[%dma_start3A_16] : memref<400xf32, #tpu.memory_space<vmem>> -> memref<384xf32, #tpu.memory_space<vmem>>
    %dma_start3A_18 = tpu.memref_slice %arg2[%sub3A_12] : memref<24576xf32, #tpu.memory_space<hbm>> -> memref<384xf32, #tpu.memory_space<hbm>>
    tpu.enqueue_dma source(%dma_start3A_18 : memref<384xf32, #tpu.memory_space<hbm>>) target(%dma_start3A_17 : memref<384xf32, #tpu.memory_space<vmem>>) target_semaphore(%arg8 : memref<!tpu.dma_semaphore, #tpu.memory_space<semaphore_mem>>)
    %add3A_19 = arith.constant 16384 : i32
    %add3A_20 = arith.addi %add3A_19, %mul3A_2 : i32
    %sub3A_21 = arith.subi %add3A_20, %select_n3A : i32
    %dma_start3A_22 = arith.constant 0 : i32
    %dma_start3A_23 = tpu.memref_slice %arg6[%dma_start3A_22] : memref<400xf32, #tpu.memory_space<vmem>> -> memref<384xf32, #tpu.memory_space<vmem>>
    %dma_start3A_24 = tpu.memref_slice %arg2[%sub3A_21] : memref<24576xf32, #tpu.memory_space<hbm>> -> memref<384xf32, #tpu.memory_space<hbm>>
    %dma_start3A_25 = arith.constant 0 : i32
    %dma_start3A_26 = tpu.memref_slice %arg6[%dma_start3A_25] : memref<400xf32, #tpu.memory_space<vmem>> -> memref<384xf32, #tpu.memory_space<vmem>>
    %dma_start3A_27 = tpu.memref_slice %arg2[%sub3A_21] : memref<24576xf32, #tpu.memory_space<hbm>> -> memref<384xf32, #tpu.memory_space<hbm>>
    tpu.enqueue_dma source(%dma_start3A_27 : memref<384xf32, #tpu.memory_space<hbm>>) target(%dma_start3A_26 : memref<384xf32, #tpu.memory_space<vmem>>) target_semaphore(%arg8 : memref<!tpu.dma_semaphore, #tpu.memory_space<semaphore_mem>>)
    %dma_wait3A = arith.constant 0 : i32
    %dma_wait3A_28 = tpu.memref_slice %arg4[%dma_wait3A] : memref<400xf32, #tpu.memory_space<vmem>> -> memref<384xf32, #tpu.memory_space<vmem>>
    %dma_wait3A_29 = tpu.memref_slice %arg2[%sub3A] : memref<24576xf32, #tpu.memory_space<hbm>> -> memref<384xf32, #tpu.memory_space<hbm>>
    %dma_wait3A_30 = arith.constant 0 : i32
    %dma_wait3A_31 = tpu.memref_slice %arg4[%dma_wait3A_30] : memref<400xf32, #tpu.memory_space<vmem>> -> memref<384xf32, #tpu.memory_space<vmem>>
    %dma_wait3A_32 = tpu.memref_slice %arg2[%sub3A] : memref<24576xf32, #tpu.memory_space<hbm>> -> memref<384xf32, #tpu.memory_space<hbm>>
    tpu.wait_dma2 semaphore(%arg8 : memref<!tpu.dma_semaphore, #tpu.memory_space<semaphore_mem>>) src(%dma_wait3A_32 : memref<384xf32, #tpu.memory_space<hbm>>) dst(%dma_wait3A_31 : memref<384xf32, #tpu.memory_space<vmem>>)
    %dma_wait3A_33 = arith.constant 0 : i32
    %dma_wait3A_34 = tpu.memref_slice %arg5[%dma_wait3A_33] : memref<400xf32, #tpu.memory_space<vmem>> -> memref<384xf32, #tpu.memory_space<vmem>>
    %dma_wait3A_35 = tpu.memref_slice %arg2[%sub3A_12] : memref<24576xf32, #tpu.memory_space<hbm>> -> memref<384xf32, #tpu.memory_space<hbm>>
    %dma_wait3A_36 = arith.constant 0 : i32
    %dma_wait3A_37 = tpu.memref_slice %arg5[%dma_wait3A_36] : memref<400xf32, #tpu.memory_space<vmem>> -> memref<384xf32, #tpu.memory_space<vmem>>
    %dma_wait3A_38 = tpu.memref_slice %arg2[%sub3A_12] : memref<24576xf32, #tpu.memory_space<hbm>> -> memref<384xf32, #tpu.memory_space<hbm>>
    tpu.wait_dma2 semaphore(%arg8 : memref<!tpu.dma_semaphore, #tpu.memory_space<semaphore_mem>>) src(%dma_wait3A_38 : memref<384xf32, #tpu.memory_space<hbm>>) dst(%dma_wait3A_37 : memref<384xf32, #tpu.memory_space<vmem>>)
    %dma_wait3A_39 = arith.constant 0 : i32
    %dma_wait3A_40 = tpu.memref_slice %arg6[%dma_wait3A_39] : memref<400xf32, #tpu.memory_space<vmem>> -> memref<384xf32, #tpu.memory_space<vmem>>
    %dma_wait3A_41 = tpu.memref_slice %arg2[%sub3A_21] : memref<24576xf32, #tpu.memory_space<hbm>> -> memref<384xf32, #tpu.memory_space<hbm>>
    %dma_wait3A_42 = arith.constant 0 : i32
    %dma_wait3A_43 = tpu.memref_slice %arg6[%dma_wait3A_42] : memref<400xf32, #tpu.memory_space<vmem>> -> memref<384xf32, #tpu.memory_space<vmem>>
    %dma_wait3A_44 = tpu.memref_slice %arg2[%sub3A_21] : memref<24576xf32, #tpu.memory_space<hbm>> -> memref<384xf32, #tpu.memory_space<hbm>>
    tpu.wait_dma2 semaphore(%arg8 : memref<!tpu.dma_semaphore, #tpu.memory_space<semaphore_mem>>) src(%dma_wait3A_44 : memref<384xf32, #tpu.memory_space<hbm>>) dst(%dma_wait3A_43 : memref<384xf32, #tpu.memory_space<vmem>>)
    %iota3A = tpu.iota {dimensions = array<i32: 0>} : vector<16xi32>
    %parallel_loop3A = arith.constant 0 : i32
    %parallel_loop3A_45 = arith.constant 16 : i32
    %parallel_loop3A_46 = arith.constant 1 : i32
    scf.for %parallel_loop3A_47 = %parallel_loop3A to %parallel_loop3A_45 step %parallel_loop3A_46  : i32 {
      %parallel_loop3A_48 = arith.constant 16 : i32
      %parallel_loop3A_49 = arith.muli %parallel_loop3A_47, %parallel_loop3A_48 : i32
      %parallel_loop3A_50 = arith.addi %parallel_loop3A_49, %select_n3A : i32
      %parallel_loop3A_51 = arith.index_cast %parallel_loop3A_50 : i32 to index
      %parallel_loop3A_52 = tpu.vector_load %arg6[%parallel_loop3A_51] {strides = array<i32>} : memref<400xf32, #tpu.memory_space<vmem>>, vector<16xf32>,
      %parallel_loop3A_53 = vector.shape_cast %parallel_loop3A_52 : vector<16xf32> to vector<16xf32>
      %parallel_loop3A_54 = arith.addi %mul3A_2, %parallel_loop3A_49 : i32
      %parallel_loop3A_55 = vector.broadcast %parallel_loop3A_54 : i32 to vector<16xi32>
      %parallel_loop3A_56 = arith.addi %parallel_loop3A_55, %iota3A : vector<16xi32>
      %parallel_loop3A_57 = arith.sitofp %parallel_loop3A_56 : vector<16xi32> to vector<16xf32>
      %parallel_loop3A_58 = arith.constant 0 : i32
      %parallel_loop3A_59 = arith.addi %parallel_loop3A_49, %parallel_loop3A_58 : i32
      %parallel_loop3A_60 = arith.addi %parallel_loop3A_59, %select_n3A : i32
      %parallel_loop3A_61 = arith.index_cast %parallel_loop3A_60 : i32 to index
      %parallel_loop3A_62 = tpu.vector_load %arg4[%parallel_loop3A_61] {strides = array<i32>} : memref<400xf32, #tpu.memory_space<vmem>>, vector<16xf32>,
      %parallel_loop3A_63 = vector.shape_cast %parallel_loop3A_62 : vector<16xf32> to vector<16xf32>
      %parallel_loop3A_64 = arith.constant 0 : i32
      %parallel_loop3A_65 = arith.addi %parallel_loop3A_49, %parallel_loop3A_64 : i32
      %parallel_loop3A_66 = arith.addi %parallel_loop3A_65, %select_n3A : i32
      %parallel_loop3A_67 = arith.index_cast %parallel_loop3A_66 : i32 to index
      %parallel_loop3A_68 = tpu.vector_load %arg5[%parallel_loop3A_67] {strides = array<i32>} : memref<400xf32, #tpu.memory_space<vmem>>, vector<16xf32>,
      %parallel_loop3A_69 = vector.shape_cast %parallel_loop3A_68 : vector<16xf32> to vector<16xf32>
      %parallel_loop3A_70 = arith.constant 0.000000e+00 : f32
      %parallel_loop3A_71 = vector.broadcast %parallel_loop3A_70 : f32 to vector<16xf32>
      %parallel_loop3A_72 = arith.addf %parallel_loop3A_57, %parallel_loop3A_71 : vector<16xf32>
      %parallel_loop3A_73 = arith.cmpf ole, %parallel_loop3A_72, %parallel_loop3A_53 : vector<16xf32>
      %parallel_loop3A_74 = arith.constant -1.000000e+30 : f32
      %parallel_loop3A_75 = vector.broadcast %parallel_loop3A_74 : f32 to vector<16xf32>
      %parallel_loop3A_76 = arith.select %parallel_loop3A_73, %parallel_loop3A_63, %parallel_loop3A_75 : vector<16xi1>, vector<16xf32>
      %parallel_loop3A_77 = arith.constant 0.000000e+00 : f32
      %parallel_loop3A_78 = vector.broadcast %parallel_loop3A_77 : f32 to vector<16xf32>
      %parallel_loop3A_79 = arith.select %parallel_loop3A_73, %parallel_loop3A_69, %parallel_loop3A_78 : vector<16xi1>, vector<16xf32>
      %parallel_loop3A_80 = arith.constant 1.000000e+00 : f32
      %parallel_loop3A_81 = vector.broadcast %parallel_loop3A_80 : f32 to vector<16xf32>
      %parallel_loop3A_82 = arith.divf %parallel_loop3A_79, %parallel_loop3A_81 : vector<16xf32>
      %parallel_loop3A_83 = arith.constant 0 : i32
      %parallel_loop3A_84 = arith.index_cast %parallel_loop3A_83 : i32 to index
      %parallel_loop3A_85 = arith.index_cast %parallel_loop3A_49 : i32 to index
      %parallel_loop3A_86 = tpu.vector_load %arg7[%parallel_loop3A_84, %parallel_loop3A_85] {strides = array<i32>} : memref<8x256xf32, #tpu.memory_space<vmem>>, vector<1x16xf32>,
      %parallel_loop3A_87 = vector.shape_cast %parallel_loop3A_86 : vector<1x16xf32> to vector<16xf32>
      %parallel_loop3A_88 = vector.shape_cast %parallel_loop3A_82 : vector<16xf32> to vector<1x16xf32>
      tpu.vector_store %arg7[%parallel_loop3A_84, %parallel_loop3A_85], %parallel_loop3A_88 {strides = array<i32>} : memref<8x256xf32, #tpu.memory_space<vmem>>, vector<1x16xf32>,
      %parallel_loop3A_89 = arith.constant 1 : i32
      %parallel_loop3A_90 = arith.addi %parallel_loop3A_49, %parallel_loop3A_89 : i32
      %parallel_loop3A_91 = arith.addi %parallel_loop3A_90, %select_n3A : i32
      %parallel_loop3A_92 = arith.index_cast %parallel_loop3A_91 : i32 to index
      %parallel_loop3A_93 = tpu.vector_load %arg4[%parallel_loop3A_92] {strides = array<i32>} : memref<400xf32, #tpu.memory_space<vmem>>, vector<16xf32>,
      %parallel_loop3A_94 = vector.shape_cast %parallel_loop3A_93 : vector<16xf32> to vector<16xf32>
      %parallel_loop3A_95 = arith.constant 1 : i32
      %parallel_loop3A_96 = arith.addi %parallel_loop3A_49, %parallel_loop3A_95 : i32
      %parallel_loop3A_97 = arith.addi %parallel_loop3A_96, %select_n3A : i32
      %parallel_loop3A_98 = arith.index_cast %parallel_loop3A_97 : i32 to index
      %parallel_loop3A_99 = tpu.vector_load %arg5[%parallel_loop3A_98] {strides = array<i32>} : memref<400xf32, #tpu.memory_space<vmem>>, vector<16xf32>,
      %parallel_loop3A_100 = vector.shape_cast %parallel_loop3A_99 : vector<16xf32> to vector<16xf32>
      %parallel_loop3A_101 = arith.constant 1.000000e+00 : f32
      %parallel_loop3A_102 = vector.broadcast %parallel_loop3A_101 : f32 to vector<16xf32>
      %parallel_loop3A_103 = arith.addf %parallel_loop3A_57, %parallel_loop3A_102 : vector<16xf32>
      %parallel_loop3A_104 = arith.cmpf ole, %parallel_loop3A_103, %parallel_loop3A_53 : vector<16xf32>
      %parallel_loop3A_105 = arith.constant -1.000000e+30 : f32
      %parallel_loop3A_106 = vector.broadcast %parallel_loop3A_105 : f32 to vector<16xf32>
      %parallel_loop3A_107 = arith.select %parallel_loop3A_104, %parallel_loop3A_94, %parallel_loop3A_106 : vector<16xi1>, vector<16xf32>
      %parallel_loop3A_108 = arith.constant 0.000000e+00 : f32
      %parallel_loop3A_109 = vector.broadcast %parallel_loop3A_108 : f32 to vector<16xf32>
      %parallel_loop3A_110 = arith.select %parallel_loop3A_104, %parallel_loop3A_100, %parallel_loop3A_109 : vector<16xi1>, vector<16xf32>
      %parallel_loop3A_111 = arith.maximumf %parallel_loop3A_76, %parallel_loop3A_107 : vector<16xf32>
      %parallel_loop3A_112 = arith.subf %parallel_loop3A_76, %parallel_loop3A_111 : vector<16xf32>
      %parallel_loop3A_113 = math.exp %parallel_loop3A_112 : vector<16xf32>
      %parallel_loop3A_114 = arith.subf %parallel_loop3A_107, %parallel_loop3A_111 : vector<16xf32>
      %parallel_loop3A_115 = math.exp %parallel_loop3A_114 : vector<16xf32>
      %parallel_loop3A_116 = arith.mulf %parallel_loop3A_81, %parallel_loop3A_113 : vector<16xf32>
      %parallel_loop3A_117 = arith.addf %parallel_loop3A_116, %parallel_loop3A_115 : vector<16xf32>
      %parallel_loop3A_118 = arith.mulf %parallel_loop3A_79, %parallel_loop3A_113 : vector<16xf32>
      %parallel_loop3A_119 = arith.mulf %parallel_loop3A_115, %parallel_loop3A_110 : vector<16xf32>
      %parallel_loop3A_120 = arith.addf %parallel_loop3A_118, %parallel_loop3A_119 : vector<16xf32>
      %parallel_loop3A_121 = arith.divf %parallel_loop3A_120, %parallel_loop3A_117 : vector<16xf32>
      %parallel_loop3A_122 = arith.constant 1 : i32
      %parallel_loop3A_123 = arith.index_cast %parallel_loop3A_122 : i32 to index
      %parallel_loop3A_124 = arith.index_cast %parallel_loop3A_49 : i32 to index
      %parallel_loop3A_125 = tpu.vector_load %arg7[%parallel_loop3A_123, %parallel_loop3A_124] {strides = array<i32>} : memref<8x256xf32, #tpu.memory_space<vmem>>, vector<1x16xf32>,
      %parallel_loop3A_126 = vector.shape_cast %parallel_loop3A_125 : vector<1x16xf32> to vector<16xf32>
      %parallel_loop3A_127 = vector.shape_cast %parallel_loop3A_121 : vector<16xf32> to vector<1x16xf32>
      tpu.vector_store %arg7[%parallel_loop3A_123, %parallel_loop3A_124], %parallel_loop3A_127 {strides = array<i32>} : memref<8x256xf32, #tpu.memory_space<vmem>>, vector<1x16xf32>,
      %parallel_loop3A_128 = arith.constant 2 : i32
      %parallel_loop3A_129 = arith.addi %parallel_loop3A_49, %parallel_loop3A_128 : i32
      %parallel_loop3A_130 = arith.addi %parallel_loop3A_129, %select_n3A : i32
      %parallel_loop3A_131 = arith.index_cast %parallel_loop3A_130 : i32 to index
      %parallel_loop3A_132 = tpu.vector_load %arg4[%parallel_loop3A_131] {strides = array<i32>} : memref<400xf32, #tpu.memory_space<vmem>>, vector<16xf32>,
      %parallel_loop3A_133 = vector.shape_cast %parallel_loop3A_132 : vector<16xf32> to vector<16xf32>
      %parallel_loop3A_134 = arith.constant 2 : i32
      %parallel_loop3A_135 = arith.addi %parallel_loop3A_49, %parallel_loop3A_134 : i32
      %parallel_loop3A_136 = arith.addi %parallel_loop3A_135, %select_n3A : i32
      %parallel_loop3A_137 = arith.index_cast %parallel_loop3A_136 : i32 to index
      %parallel_loop3A_138 = tpu.vector_load %arg5[%parallel_loop3A_137] {strides = array<i32>} : memref<400xf32, #tpu.memory_space<vmem>>, vector<16xf32>,
      %parallel_loop3A_139 = vector.shape_cast %parallel_loop3A_138 : vector<16xf32> to vector<16xf32>
      %parallel_loop3A_140 = arith.constant 2.000000e+00 : f32
      %parallel_loop3A_141 = vector.broadcast %parallel_loop3A_140 : f32 to vector<16xf32>
      %parallel_loop3A_142 = arith.addf %parallel_loop3A_57, %parallel_loop3A_141 : vector<16xf32>
      %parallel_loop3A_143 = arith.cmpf ole, %parallel_loop3A_142, %parallel_loop3A_53 : vector<16xf32>
      %parallel_loop3A_144 = arith.constant -1.000000e+30 : f32
      %parallel_loop3A_145 = vector.broadcast %parallel_loop3A_144 : f32 to vector<16xf32>
      %parallel_loop3A_146 = arith.select %parallel_loop3A_143, %parallel_loop3A_133, %parallel_loop3A_145 : vector<16xi1>, vector<16xf32>
      %parallel_loop3A_147 = arith.constant 0.000000e+00 : f32
      %parallel_loop3A_148 = vector.broadcast %parallel_loop3A_147 : f32 to vector<16xf32>
      %parallel_loop3A_149 = arith.select %parallel_loop3A_143, %parallel_loop3A_139, %parallel_loop3A_148 : vector<16xi1>, vector<16xf32>
      %parallel_loop3A_150 = arith.maximumf %parallel_loop3A_111, %parallel_loop3A_146 : vector<16xf32>
      %parallel_loop3A_151 = arith.subf %parallel_loop3A_111, %parallel_loop3A_150 : vector<16xf32>
      %parallel_loop3A_152 = math.exp %parallel_loop3A_151 : vector<16xf32>
      %parallel_loop3A_153 = arith.subf %parallel_loop3A_146, %parallel_loop3A_150 : vector<16xf32>
      %parallel_loop3A_154 = math.exp %parallel_loop3A_153 : vector<16xf32>
      %parallel_loop3A_155 = arith.mulf %parallel_loop3A_117, %parallel_loop3A_152 : vector<16xf32>
      %parallel_loop3A_156 = arith.addf %parallel_loop3A_155, %parallel_loop3A_154 : vector<16xf32>
      %parallel_loop3A_157 = arith.mulf %parallel_loop3A_120, %parallel_loop3A_152 : vector<16xf32>
      %parallel_loop3A_158 = arith.mulf %parallel_loop3A_154, %parallel_loop3A_149 : vector<16xf32>
      %parallel_loop3A_159 = arith.addf %parallel_loop3A_157, %parallel_loop3A_158 : vector<16xf32>
      %parallel_loop3A_160 = arith.divf %parallel_loop3A_159, %parallel_loop3A_156 : vector<16xf32>
      %parallel_loop3A_161 = arith.constant 2 : i32
      %parallel_loop3A_162 = arith.index_cast %parallel_loop3A_161 : i32 to index
      %parallel_loop3A_163 = arith.index_cast %parallel_loop3A_49 : i32 to index
      %parallel_loop3A_164 = tpu.vector_load %arg7[%parallel_loop3A_162, %parallel_loop3A_163] {strides = array<i32>} : memref<8x256xf32, #tpu.memory_space<vmem>>, vector<1x16xf32>,
      %parallel_loop3A_165 = vector.shape_cast %parallel_loop3A_164 : vector<1x16xf32> to vector<16xf32>
      %parallel_loop3A_166 = vector.shape_cast %parallel_loop3A_160 : vector<16xf32> to vector<1x16xf32>
      tpu.vector_store %arg7[%parallel_loop3A_162, %parallel_loop3A_163], %parallel_loop3A_166 {strides = array<i32>} : memref<8x256xf32, #tpu.memory_space<vmem>>, vector<1x16xf32>,
      %parallel_loop3A_167 = arith.constant 3 : i32
      %parallel_loop3A_168 = arith.addi %parallel_loop3A_49, %parallel_loop3A_167 : i32
      %parallel_loop3A_169 = arith.addi %parallel_loop3A_168, %select_n3A : i32
      %parallel_loop3A_170 = arith.index_cast %parallel_loop3A_169 : i32 to index
      %parallel_loop3A_171 = tpu.vector_load %arg4[%parallel_loop3A_170] {strides = array<i32>} : memref<400xf32, #tpu.memory_space<vmem>>, vector<16xf32>,
      %parallel_loop3A_172 = vector.shape_cast %parallel_loop3A_171 : vector<16xf32> to vector<16xf32>
      %parallel_loop3A_173 = arith.constant 3 : i32
      %parallel_loop3A_174 = arith.addi %parallel_loop3A_49, %parallel_loop3A_173 : i32
      %parallel_loop3A_175 = arith.addi %parallel_loop3A_174, %select_n3A : i32
      %parallel_loop3A_176 = arith.index_cast %parallel_loop3A_175 : i32 to index
      %parallel_loop3A_177 = tpu.vector_load %arg5[%parallel_loop3A_176] {strides = array<i32>} : memref<400xf32, #tpu.memory_space<vmem>>, vector<16xf32>,
      %parallel_loop3A_178 = vector.shape_cast %parallel_loop3A_177 : vector<16xf32> to vector<16xf32>
      %parallel_loop3A_179 = arith.constant 3.000000e+00 : f32
      %parallel_loop3A_180 = vector.broadcast %parallel_loop3A_179 : f32 to vector<16xf32>
      %parallel_loop3A_181 = arith.addf %parallel_loop3A_57, %parallel_loop3A_180 : vector<16xf32>
      %parallel_loop3A_182 = arith.cmpf ole, %parallel_loop3A_181, %parallel_loop3A_53 : vector<16xf32>
      %parallel_loop3A_183 = arith.constant -1.000000e+30 : f32
      %parallel_loop3A_184 = vector.broadcast %parallel_loop3A_183 : f32 to vector<16xf32>
      %parallel_loop3A_185 = arith.select %parallel_loop3A_182, %parallel_loop3A_172, %parallel_loop3A_184 : vector<16xi1>, vector<16xf32>
      %parallel_loop3A_186 = arith.constant 0.000000e+00 : f32
      %parallel_loop3A_187 = vector.broadcast %parallel_loop3A_186 : f32 to vector<16xf32>
      %parallel_loop3A_188 = arith.select %parallel_loop3A_182, %parallel_loop3A_178, %parallel_loop3A_187 : vector<16xi1>, vector<16xf32>
      %parallel_loop3A_189 = arith.maximumf %parallel_loop3A_150, %parallel_loop3A_185 : vector<16xf32>
      %parallel_loop3A_190 = arith.subf %parallel_loop3A_150, %parallel_loop3A_189 : vector<16xf32>
      %parallel_loop3A_191 = math.exp %parallel_loop3A_190 : vector<16xf32>
      %parallel_loop3A_192 = arith.subf %parallel_loop3A_185, %parallel_loop3A_189 : vector<16xf32>
      %parallel_loop3A_193 = math.exp %parallel_loop3A_192 : vector<16xf32>
      %parallel_loop3A_194 = arith.mulf %parallel_loop3A_156, %parallel_loop3A_191 : vector<16xf32>
      %parallel_loop3A_195 = arith.addf %parallel_loop3A_194, %parallel_loop3A_193 : vector<16xf32>
      %parallel_loop3A_196 = arith.mulf %parallel_loop3A_159, %parallel_loop3A_191 : vector<16xf32>
      %parallel_loop3A_197 = arith.mulf %parallel_loop3A_193, %parallel_loop3A_188 : vector<16xf32>
      %parallel_loop3A_198 = arith.addf %parallel_loop3A_196, %parallel_loop3A_197 : vector<16xf32>
      %parallel_loop3A_199 = arith.divf %parallel_loop3A_198, %parallel_loop3A_195 : vector<16xf32>
      %parallel_loop3A_200 = arith.constant 3 : i32
      %parallel_loop3A_201 = arith.index_cast %parallel_loop3A_200 : i32 to index
      %parallel_loop3A_202 = arith.index_cast %parallel_loop3A_49 : i32 to index
      %parallel_loop3A_203 = tpu.vector_load %arg7[%parallel_loop3A_201, %parallel_loop3A_202] {strides = array<i32>} : memref<8x256xf32, #tpu.memory_space<vmem>>, vector<1x16xf32>,
      %parallel_loop3A_204 = vector.shape_cast %parallel_loop3A_203 : vector<1x16xf32> to vector<16xf32>
      %parallel_loop3A_205 = vector.shape_cast %parallel_loop3A_199 : vector<16xf32> to vector<1x16xf32>
      tpu.vector_store %arg7[%parallel_loop3A_201, %parallel_loop3A_202], %parallel_loop3A_205 {strides = array<i32>} : memref<8x256xf32, #tpu.memory_space<vmem>>, vector<1x16xf32>,
      %parallel_loop3A_206 = arith.constant 4 : i32
      %parallel_loop3A_207 = arith.addi %parallel_loop3A_49, %parallel_loop3A_206 : i32
      %parallel_loop3A_208 = arith.addi %parallel_loop3A_207, %select_n3A : i32
      %parallel_loop3A_209 = arith.index_cast %parallel_loop3A_208 : i32 to index
      %parallel_loop3A_210 = tpu.vector_load %arg4[%parallel_loop3A_209] {strides = array<i32>} : memref<400xf32, #tpu.memory_space<vmem>>, vector<16xf32>,
      %parallel_loop3A_211 = vector.shape_cast %parallel_loop3A_210 : vector<16xf32> to vector<16xf32>
      %parallel_loop3A_212 = arith.constant 4 : i32
      %parallel_loop3A_213 = arith.addi %parallel_loop3A_49, %parallel_loop3A_212 : i32
      %parallel_loop3A_214 = arith.addi %parallel_loop3A_213, %select_n3A : i32
      %parallel_loop3A_215 = arith.index_cast %parallel_loop3A_214 : i32 to index
      %parallel_loop3A_216 = tpu.vector_load %arg5[%parallel_loop3A_215] {strides = array<i32>} : memref<400xf32, #tpu.memory_space<vmem>>, vector<16xf32>,
      %parallel_loop3A_217 = vector.shape_cast %parallel_loop3A_216 : vector<16xf32> to vector<16xf32>
      %parallel_loop3A_218 = arith.constant 4.000000e+00 : f32
      %parallel_loop3A_219 = vector.broadcast %parallel_loop3A_218 : f32 to vector<16xf32>
      %parallel_loop3A_220 = arith.addf %parallel_loop3A_57, %parallel_loop3A_219 : vector<16xf32>
      %parallel_loop3A_221 = arith.cmpf ole, %parallel_loop3A_220, %parallel_loop3A_53 : vector<16xf32>
      %parallel_loop3A_222 = arith.constant -1.000000e+30 : f32
      %parallel_loop3A_223 = vector.broadcast %parallel_loop3A_222 : f32 to vector<16xf32>
      %parallel_loop3A_224 = arith.select %parallel_loop3A_221, %parallel_loop3A_211, %parallel_loop3A_223 : vector<16xi1>, vector<16xf32>
      %parallel_loop3A_225 = arith.constant 0.000000e+00 : f32
      %parallel_loop3A_226 = vector.broadcast %parallel_loop3A_225 : f32 to vector<16xf32>
      %parallel_loop3A_227 = arith.select %parallel_loop3A_221, %parallel_loop3A_217, %parallel_loop3A_226 : vector<16xi1>, vector<16xf32>
      %parallel_loop3A_228 = arith.maximumf %parallel_loop3A_189, %parallel_loop3A_224 : vector<16xf32>
      %parallel_loop3A_229 = arith.subf %parallel_loop3A_189, %parallel_loop3A_228 : vector<16xf32>
      %parallel_loop3A_230 = math.exp %parallel_loop3A_229 : vector<16xf32>
      %parallel_loop3A_231 = arith.subf %parallel_loop3A_224, %parallel_loop3A_228 : vector<16xf32>
      %parallel_loop3A_232 = math.exp %parallel_loop3A_231 : vector<16xf32>
      %parallel_loop3A_233 = arith.mulf %parallel_loop3A_195, %parallel_loop3A_230 : vector<16xf32>
      %parallel_loop3A_234 = arith.addf %parallel_loop3A_233, %parallel_loop3A_232 : vector<16xf32>
      %parallel_loop3A_235 = arith.mulf %parallel_loop3A_198, %parallel_loop3A_230 : vector<16xf32>
      %parallel_loop3A_236 = arith.mulf %parallel_loop3A_232, %parallel_loop3A_227 : vector<16xf32>
      %parallel_loop3A_237 = arith.addf %parallel_loop3A_235, %parallel_loop3A_236 : vector<16xf32>
      %parallel_loop3A_238 = arith.divf %parallel_loop3A_237, %parallel_loop3A_234 : vector<16xf32>
      %parallel_loop3A_239 = arith.constant 4 : i32
      %parallel_loop3A_240 = arith.index_cast %parallel_loop3A_239 : i32 to index
      %parallel_loop3A_241 = arith.index_cast %parallel_loop3A_49 : i32 to index
      %parallel_loop3A_242 = tpu.vector_load %arg7[%parallel_loop3A_240, %parallel_loop3A_241] {strides = array<i32>} : memref<8x256xf32, #tpu.memory_space<vmem>>, vector<1x16xf32>,
      %parallel_loop3A_243 = vector.shape_cast %parallel_loop3A_242 : vector<1x16xf32> to vector<16xf32>
      %parallel_loop3A_244 = vector.shape_cast %parallel_loop3A_238 : vector<16xf32> to vector<1x16xf32>
      tpu.vector_store %arg7[%parallel_loop3A_240, %parallel_loop3A_241], %parallel_loop3A_244 {strides = array<i32>} : memref<8x256xf32, #tpu.memory_space<vmem>>, vector<1x16xf32>,
      %parallel_loop3A_245 = arith.constant 5 : i32
      %parallel_loop3A_246 = arith.addi %parallel_loop3A_49, %parallel_loop3A_245 : i32
      %parallel_loop3A_247 = arith.addi %parallel_loop3A_246, %select_n3A : i32
      %parallel_loop3A_248 = arith.index_cast %parallel_loop3A_247 : i32 to index
      %parallel_loop3A_249 = tpu.vector_load %arg4[%parallel_loop3A_248] {strides = array<i32>} : memref<400xf32, #tpu.memory_space<vmem>>, vector<16xf32>,
      %parallel_loop3A_250 = vector.shape_cast %parallel_loop3A_249 : vector<16xf32> to vector<16xf32>
      %parallel_loop3A_251 = arith.constant 5 : i32
      %parallel_loop3A_252 = arith.addi %parallel_loop3A_49, %parallel_loop3A_251 : i32
      %parallel_loop3A_253 = arith.addi %parallel_loop3A_252, %select_n3A : i32
      %parallel_loop3A_254 = arith.index_cast %parallel_loop3A_253 : i32 to index
      %parallel_loop3A_255 = tpu.vector_load %arg5[%parallel_loop3A_254] {strides = array<i32>} : memref<400xf32, #tpu.memory_space<vmem>>, vector<16xf32>,
      %parallel_loop3A_256 = vector.shape_cast %parallel_loop3A_255 : vector<16xf32> to vector<16xf32>
      %parallel_loop3A_257 = arith.constant 5.000000e+00 : f32
      %parallel_loop3A_258 = vector.broadcast %parallel_loop3A_257 : f32 to vector<16xf32>
      %parallel_loop3A_259 = arith.addf %parallel_loop3A_57, %parallel_loop3A_258 : vector<16xf32>
      %parallel_loop3A_260 = arith.cmpf ole, %parallel_loop3A_259, %parallel_loop3A_53 : vector<16xf32>
      %parallel_loop3A_261 = arith.constant -1.000000e+30 : f32
      %parallel_loop3A_262 = vector.broadcast %parallel_loop3A_261 : f32 to vector<16xf32>
      %parallel_loop3A_263 = arith.select %parallel_loop3A_260, %parallel_loop3A_250, %parallel_loop3A_262 : vector<16xi1>, vector<16xf32>
      %parallel_loop3A_264 = arith.constant 0.000000e+00 : f32
      %parallel_loop3A_265 = vector.broadcast %parallel_loop3A_264 : f32 to vector<16xf32>
      %parallel_loop3A_266 = arith.select %parallel_loop3A_260, %parallel_loop3A_256, %parallel_loop3A_265 : vector<16xi1>, vector<16xf32>
      %parallel_loop3A_267 = arith.maximumf %parallel_loop3A_228, %parallel_loop3A_263 : vector<16xf32>
      %parallel_loop3A_268 = arith.subf %parallel_loop3A_228, %parallel_loop3A_267 : vector<16xf32>
      %parallel_loop3A_269 = math.exp %parallel_loop3A_268 : vector<16xf32>
      %parallel_loop3A_270 = arith.subf %parallel_loop3A_263, %parallel_loop3A_267 : vector<16xf32>
      %parallel_loop3A_271 = math.exp %parallel_loop3A_270 : vector<16xf32>
      %parallel_loop3A_272 = arith.mulf %parallel_loop3A_234, %parallel_loop3A_269 : vector<16xf32>
      %parallel_loop3A_273 = arith.addf %parallel_loop3A_272, %parallel_loop3A_271 : vector<16xf32>
      %parallel_loop3A_274 = arith.mulf %parallel_loop3A_237, %parallel_loop3A_269 : vector<16xf32>
      %parallel_loop3A_275 = arith.mulf %parallel_loop3A_271, %parallel_loop3A_266 : vector<16xf32>
      %parallel_loop3A_276 = arith.addf %parallel_loop3A_274, %parallel_loop3A_275 : vector<16xf32>
      %parallel_loop3A_277 = arith.divf %parallel_loop3A_276, %parallel_loop3A_273 : vector<16xf32>
      %parallel_loop3A_278 = arith.constant 5 : i32
      %parallel_loop3A_279 = arith.index_cast %parallel_loop3A_278 : i32 to index
      %parallel_loop3A_280 = arith.index_cast %parallel_loop3A_49 : i32 to index
      %parallel_loop3A_281 = tpu.vector_load %arg7[%parallel_loop3A_279, %parallel_loop3A_280] {strides = array<i32>} : memref<8x256xf32, #tpu.memory_space<vmem>>, vector<1x16xf32>,
      %parallel_loop3A_282 = vector.shape_cast %parallel_loop3A_281 : vector<1x16xf32> to vector<16xf32>
      %parallel_loop3A_283 = vector.shape_cast %parallel_loop3A_277 : vector<16xf32> to vector<1x16xf32>
      tpu.vector_store %arg7[%parallel_loop3A_279, %parallel_loop3A_280], %parallel_loop3A_283 {strides = array<i32>} : memref<8x256xf32, #tpu.memory_space<vmem>>, vector<1x16xf32>,
      %parallel_loop3A_284 = arith.constant 6 : i32
      %parallel_loop3A_285 = arith.addi %parallel_loop3A_49, %parallel_loop3A_284 : i32
      %parallel_loop3A_286 = arith.addi %parallel_loop3A_285, %select_n3A : i32
      %parallel_loop3A_287 = arith.index_cast %parallel_loop3A_286 : i32 to index
      %parallel_loop3A_288 = tpu.vector_load %arg4[%parallel_loop3A_287] {strides = array<i32>} : memref<400xf32, #tpu.memory_space<vmem>>, vector<16xf32>,
      %parallel_loop3A_289 = vector.shape_cast %parallel_loop3A_288 : vector<16xf32> to vector<16xf32>
      %parallel_loop3A_290 = arith.constant 6 : i32
      %parallel_loop3A_291 = arith.addi %parallel_loop3A_49, %parallel_loop3A_290 : i32
      %parallel_loop3A_292 = arith.addi %parallel_loop3A_291, %select_n3A : i32
      %parallel_loop3A_293 = arith.index_cast %parallel_loop3A_292 : i32 to index
      %parallel_loop3A_294 = tpu.vector_load %arg5[%parallel_loop3A_293] {strides = array<i32>} : memref<400xf32, #tpu.memory_space<vmem>>, vector<16xf32>,
      %parallel_loop3A_295 = vector.shape_cast %parallel_loop3A_294 : vector<16xf32> to vector<16xf32>
      %parallel_loop3A_296 = arith.constant 6.000000e+00 : f32
      %parallel_loop3A_297 = vector.broadcast %parallel_loop3A_296 : f32 to vector<16xf32>
      %parallel_loop3A_298 = arith.addf %parallel_loop3A_57, %parallel_loop3A_297 : vector<16xf32>
      %parallel_loop3A_299 = arith.cmpf ole, %parallel_loop3A_298, %parallel_loop3A_53 : vector<16xf32>
      %parallel_loop3A_300 = arith.constant -1.000000e+30 : f32
      %parallel_loop3A_301 = vector.broadcast %parallel_loop3A_300 : f32 to vector<16xf32>
      %parallel_loop3A_302 = arith.select %parallel_loop3A_299, %parallel_loop3A_289, %parallel_loop3A_301 : vector<16xi1>, vector<16xf32>
      %parallel_loop3A_303 = arith.constant 0.000000e+00 : f32
      %parallel_loop3A_304 = vector.broadcast %parallel_loop3A_303 : f32 to vector<16xf32>
      %parallel_loop3A_305 = arith.select %parallel_loop3A_299, %parallel_loop3A_295, %parallel_loop3A_304 : vector<16xi1>, vector<16xf32>
      %parallel_loop3A_306 = arith.maximumf %parallel_loop3A_267, %parallel_loop3A_302 : vector<16xf32>
      %parallel_loop3A_307 = arith.subf %parallel_loop3A_267, %parallel_loop3A_306 : vector<16xf32>
      %parallel_loop3A_308 = math.exp %parallel_loop3A_307 : vector<16xf32>
      %parallel_loop3A_309 = arith.subf %parallel_loop3A_302, %parallel_loop3A_306 : vector<16xf32>
      %parallel_loop3A_310 = math.exp %parallel_loop3A_309 : vector<16xf32>
      %parallel_loop3A_311 = arith.mulf %parallel_loop3A_273, %parallel_loop3A_308 : vector<16xf32>
      %parallel_loop3A_312 = arith.addf %parallel_loop3A_311, %parallel_loop3A_310 : vector<16xf32>
      %parallel_loop3A_313 = arith.mulf %parallel_loop3A_276, %parallel_loop3A_308 : vector<16xf32>
      %parallel_loop3A_314 = arith.mulf %parallel_loop3A_310, %parallel_loop3A_305 : vector<16xf32>
      %parallel_loop3A_315 = arith.addf %parallel_loop3A_313, %parallel_loop3A_314 : vector<16xf32>
      %parallel_loop3A_316 = arith.divf %parallel_loop3A_315, %parallel_loop3A_312 : vector<16xf32>
      %parallel_loop3A_317 = arith.constant 6 : i32
      %parallel_loop3A_318 = arith.index_cast %parallel_loop3A_317 : i32 to index
      %parallel_loop3A_319 = arith.index_cast %parallel_loop3A_49 : i32 to index
      %parallel_loop3A_320 = tpu.vector_load %arg7[%parallel_loop3A_318, %parallel_loop3A_319] {strides = array<i32>} : memref<8x256xf32, #tpu.memory_space<vmem>>, vector<1x16xf32>,
      %parallel_loop3A_321 = vector.shape_cast %parallel_loop3A_320 : vector<1x16xf32> to vector<16xf32>
      %parallel_loop3A_322 = vector.shape_cast %parallel_loop3A_316 : vector<16xf32> to vector<1x16xf32>
      tpu.vector_store %arg7[%parallel_loop3A_318, %parallel_loop3A_319], %parallel_loop3A_322 {strides = array<i32>} : memref<8x256xf32, #tpu.memory_space<vmem>>, vector<1x16xf32>,
      %parallel_loop3A_323 = arith.constant 7 : i32
      %parallel_loop3A_324 = arith.addi %parallel_loop3A_49, %parallel_loop3A_323 : i32
      %parallel_loop3A_325 = arith.addi %parallel_loop3A_324, %select_n3A : i32
      %parallel_loop3A_326 = arith.index_cast %parallel_loop3A_325 : i32 to index
      %parallel_loop3A_327 = tpu.vector_load %arg4[%parallel_loop3A_326] {strides = array<i32>} : memref<400xf32, #tpu.memory_space<vmem>>, vector<16xf32>,
      %parallel_loop3A_328 = vector.shape_cast %parallel_loop3A_327 : vector<16xf32> to vector<16xf32>
      %parallel_loop3A_329 = arith.constant 7 : i32
      %parallel_loop3A_330 = arith.addi %parallel_loop3A_49, %parallel_loop3A_329 : i32
      %parallel_loop3A_331 = arith.addi %parallel_loop3A_330, %select_n3A : i32
      %parallel_loop3A_332 = arith.index_cast %parallel_loop3A_331 : i32 to index
      %parallel_loop3A_333 = tpu.vector_load %arg5[%parallel_loop3A_332] {strides = array<i32>} : memref<400xf32, #tpu.memory_space<vmem>>, vector<16xf32>,
      %parallel_loop3A_334 = vector.shape_cast %parallel_loop3A_333 : vector<16xf32> to vector<16xf32>
      %parallel_loop3A_335 = arith.constant 7.000000e+00 : f32
      %parallel_loop3A_336 = vector.broadcast %parallel_loop3A_335 : f32 to vector<16xf32>
      %parallel_loop3A_337 = arith.addf %parallel_loop3A_57, %parallel_loop3A_336 : vector<16xf32>
      %parallel_loop3A_338 = arith.cmpf ole, %parallel_loop3A_337, %parallel_loop3A_53 : vector<16xf32>
      %parallel_loop3A_339 = arith.constant -1.000000e+30 : f32
      %parallel_loop3A_340 = vector.broadcast %parallel_loop3A_339 : f32 to vector<16xf32>
      %parallel_loop3A_341 = arith.select %parallel_loop3A_338, %parallel_loop3A_328, %parallel_loop3A_340 : vector<16xi1>, vector<16xf32>
      %parallel_loop3A_342 = arith.constant 0.000000e+00 : f32
      %parallel_loop3A_343 = vector.broadcast %parallel_loop3A_342 : f32 to vector<16xf32>
      %parallel_loop3A_344 = arith.select %parallel_loop3A_338, %parallel_loop3A_334, %parallel_loop3A_343 : vector<16xi1>, vector<16xf32>
      %parallel_loop3A_345 = arith.maximumf %parallel_loop3A_306, %parallel_loop3A_341 : vector<16xf32>
      %parallel_loop3A_346 = arith.subf %parallel_loop3A_306, %parallel_loop3A_345 : vector<16xf32>
      %parallel_loop3A_347 = math.exp %parallel_loop3A_346 : vector<16xf32>
      %parallel_loop3A_348 = arith.subf %parallel_loop3A_341, %parallel_loop3A_345 : vector<16xf32>
      %parallel_loop3A_349 = math.exp %parallel_loop3A_348 : vector<16xf32>
      %parallel_loop3A_350 = arith.mulf %parallel_loop3A_312, %parallel_loop3A_347 : vector<16xf32>
      %parallel_loop3A_351 = arith.addf %parallel_loop3A_350, %parallel_loop3A_349 : vector<16xf32>
      %parallel_loop3A_352 = arith.mulf %parallel_loop3A_315, %parallel_loop3A_347 : vector<16xf32>
      %parallel_loop3A_353 = arith.mulf %parallel_loop3A_349, %parallel_loop3A_344 : vector<16xf32>
      %parallel_loop3A_354 = arith.addf %parallel_loop3A_352, %parallel_loop3A_353 : vector<16xf32>
      %parallel_loop3A_355 = arith.divf %parallel_loop3A_354, %parallel_loop3A_351 : vector<16xf32>
      %parallel_loop3A_356 = arith.constant 7 : i32
      %parallel_loop3A_357 = arith.index_cast %parallel_loop3A_356 : i32 to index
      %parallel_loop3A_358 = arith.index_cast %parallel_loop3A_49 : i32 to index
      %parallel_loop3A_359 = tpu.vector_load %arg7[%parallel_loop3A_357, %parallel_loop3A_358] {strides = array<i32>} : memref<8x256xf32, #tpu.memory_space<vmem>>, vector<1x16xf32>,
      %parallel_loop3A_360 = vector.shape_cast %parallel_loop3A_359 : vector<1x16xf32> to vector<16xf32>
      %parallel_loop3A_361 = vector.shape_cast %parallel_loop3A_355 : vector<16xf32> to vector<1x16xf32>
      tpu.vector_store %arg7[%parallel_loop3A_357, %parallel_loop3A_358], %parallel_loop3A_361 {strides = array<i32>} : memref<8x256xf32, #tpu.memory_space<vmem>>, vector<1x16xf32>,
    } {sc.loop_unroll_factor = 4 : i64, sc.parallel_access}
    "tpu.region"() ({
      %run_scoped3A = tpu.sem_alloc : memref<!tpu.dma_semaphore, #tpu.memory_space<semaphore_mem>>
      %dma_start3A_47 = arith.constant 0 : i32
      %dma_start3A_48 = tpu.memref_slice %arg3[%dma_start3A_47, %mul3A_2] : memref<8x8192xf32, #tpu.memory_space<hbm>> -> memref<8x256xf32, #tpu.memory_space<hbm>>
      %dma_start3A_49 = arith.constant 0 : i32
      %dma_start3A_50 = tpu.memref_slice %arg3[%dma_start3A_49, %mul3A_2] : memref<8x8192xf32, #tpu.memory_space<hbm>> -> memref<8x256xf32, #tpu.memory_space<hbm>>
      tpu.enqueue_dma source(%arg7 : memref<8x256xf32, #tpu.memory_space<vmem>>) target(%dma_start3A_50 : memref<8x256xf32, #tpu.memory_space<hbm>>) target_semaphore(%run_scoped3A : memref<!tpu.dma_semaphore, #tpu.memory_space<semaphore_mem>>)
      %dma_wait3A_51 = arith.constant 0 : i32
      %dma_wait3A_52 = tpu.memref_slice %arg3[%dma_wait3A_51, %mul3A_2] : memref<8x8192xf32, #tpu.memory_space<hbm>> -> memref<8x256xf32, #tpu.memory_space<hbm>>
      %dma_wait3A_53 = arith.constant 0 : i32
      %dma_wait3A_54 = tpu.memref_slice %arg3[%dma_wait3A_53, %mul3A_2] : memref<8x8192xf32, #tpu.memory_space<hbm>> -> memref<8x256xf32, #tpu.memory_space<hbm>>
      tpu.wait_dma2 semaphore(%run_scoped3A : memref<!tpu.dma_semaphore, #tpu.memory_space<semaphore_mem>>) src(%arg7 : memref<8x256xf32, #tpu.memory_space<vmem>>) dst(%dma_wait3A_54 : memref<8x256xf32, #tpu.memory_space<hbm>>)
      tpu.yield
    }) : () -> ()
    return
  }
}

module attributes {stable_mosaic.version = 14 : i64} {
  func.func @_tc_stage(%arg0: i32, %arg1: memref<4096x256xf32, #tpu.memory_space<vmem>>, %arg2: memref<64x256xf32, #tpu.memory_space<vmem>>, %arg3: memref<1x256xf32, #tpu.memory_space<vmem>>, %arg4: memref<1x256xf32, #tpu.memory_space<vmem>>, %arg5: memref<66x1xf32, #tpu.memory_space<vmem>>, %arg6: memref<2x66xf32, #tpu.memory_space<vmem>>, %arg7: memref<9xi32, #tpu.memory_space<smem>>, %arg8: memref<1xf32, #tpu.memory_space<smem>>, %arg9: memref<1xf32, #tpu.memory_space<smem>>, %arg10: memref<3x4096xf32, #tpu.memory_space<vmem>>) attributes {dimension_semantics = [#tpu.dimension_semantics<arbitrary>], iteration_bounds = array<i64: 2>, scalar_prefetch = 0 : i64, scratch_operands = 0 : i64, tpu.core_type = #tpu.core_type<tc>, window_params = [{transform_indices = @transform_0, window_bounds = array<i64: 4096, 256>}, {pipeline_mode = #tpu.pipeline_mode<synchronous>, transform_indices = @transform_1, window_bounds = array<i64: 64, 256>}, {pipeline_mode = #tpu.pipeline_mode<synchronous>, transform_indices = @transform_2, window_bounds = array<i64: 1, 256>}, {pipeline_mode = #tpu.pipeline_mode<synchronous>, transform_indices = @transform_3, window_bounds = array<i64: 1, 256>}, {pipeline_mode = #tpu.pipeline_mode<synchronous>, transform_indices = @transform_4, window_bounds = array<i64: 66, 1>}, {pipeline_mode = #tpu.pipeline_mode<synchronous>, transform_indices = @transform_5, window_bounds = array<i64: 2, 66>}, {transform_indices = @transform_6, window_bounds = array<i64: 9>}, {transform_indices = @transform_7, window_bounds = array<i64: 1>}, {transform_indices = @transform_8, window_bounds = array<i64: 1>}, {transform_indices = @transform_9, window_bounds = array<i64: 3, 4096>}]} {
    %get3A = arith.constant 0 : index
    %get3A_0 = arith.constant 0 : index
    %get3A_1 = vector.load %arg1[%get3A, %get3A_0] : memref<4096x256xf32, #tpu.memory_space<vmem>>, vector<4096x256xf32>
    %get3A_2 = arith.constant 0 : index
    %get3A_3 = arith.constant 0 : index
    %get3A_4 = vector.load %arg4[%get3A_2, %get3A_3] : memref<1x256xf32, #tpu.memory_space<vmem>>, vector<1x256xf32>
    %get3A_5 = arith.constant 0 : index
    %get3A_6 = arith.constant 0 : index
    %get3A_7 = vector.load %arg2[%get3A_5, %get3A_6] : memref<64x256xf32, #tpu.memory_space<vmem>>, vector<64x256xf32>
    %get3A_8 = arith.constant 0 : index
    %get3A_9 = arith.constant 0 : index
    %get3A_10 = vector.load %arg3[%get3A_8, %get3A_9] : memref<1x256xf32, #tpu.memory_space<vmem>>, vector<1x256xf32>
    %mul3A = vector.broadcast %get3A_10 : vector<1x256xf32> to vector<64x256xf32>
    %mul3A_11 = arith.mulf %get3A_7, %mul3A : vector<64x256xf32>
    %neg3A = arith.constant 0.000000e+00 : f32
    %neg3A_12 = vector.broadcast %neg3A : f32 to vector<1x256xf32>
    %neg3A_13 = arith.subf %neg3A_12, %get3A_4 : vector<1x256xf32>
    %concatenate3A = tpu.concatenate %mul3A_11, %get3A_4, %neg3A_13 in 0 : vector<64x256xf32>, vector<1x256xf32>, vector<1x256xf32> -> vector<66x256xf32>
    %dot_general3A = arith.constant dense<0.000000e+00> : vector<66x4096xf32>
    %dot_general3A_14 = tpu.matmul %concatenate3A, %get3A_1, %dot_general3A {dimension_numbers = #tpu.dot_dimension_numbers<[1], [1], [0], [0], [0, 0, 1, 0], [], []>, transpose_lhs_hint = false} : vector<66x256xf32>, vector<4096x256xf32>, vector<66x4096xf32> -> vector<66x4096xf32>
    %get3A_15 = arith.constant 0 : index
    %get3A_16 = arith.constant 0 : index
    %get3A_17 = vector.load %arg5[%get3A_15, %get3A_16] : memref<66x1xf32, #tpu.memory_space<vmem>>, vector<66x1xf32>
    %add3A = vector.broadcast %get3A_17 : vector<66x1xf32> to vector<66x4096xf32>
    %add3A_18 = arith.addf %dot_general3A_14, %add3A : vector<66x4096xf32>
    %max3A = arith.constant 0.000000e+00 : f32
    %max3A_19 = vector.broadcast %max3A : f32 to vector<66x4096xf32>
    %max3A_20 = arith.maximumf %add3A_18, %max3A_19 : vector<66x4096xf32>
    %get3A_21 = arith.constant 0 : index
    %get3A_22 = arith.constant 0 : index
    %get3A_23 = vector.load %arg6[%get3A_21, %get3A_22] : memref<2x66xf32, #tpu.memory_space<vmem>>, vector<2x66xf32>
    %dot_general3A_24 = arith.constant dense<0.000000e+00> : vector<2x4096xf32>
    %dot_general3A_25 = tpu.matmul %get3A_23, %max3A_20, %dot_general3A_24 {dimension_numbers = #tpu.dot_dimension_numbers<[1], [0], [0], [1], [0, 0, 1, 1], [], []>, transpose_lhs_hint = false} : vector<2x66xf32>, vector<66x4096xf32>, vector<2x4096xf32> -> vector<2x4096xf32>
    %get3A_26 = arith.constant 0 : index
    %get3A_27 = memref.load %arg8[%get3A_26] : memref<1xf32, #tpu.memory_space<smem>>
    %broadcast_in_dim3A = vector.broadcast %get3A_27 : f32 to vector<1x1xf32>
    %get3A_28 = arith.constant 0 : index
    %get3A_29 = memref.load %arg9[%get3A_28] : memref<1xf32, #tpu.memory_space<smem>>
    %broadcast_in_dim3A_30 = vector.broadcast %get3A_29 : f32 to vector<1x1xf32>
    %concatenate3A_31 = tpu.concatenate %broadcast_in_dim3A, %broadcast_in_dim3A_30 in 0 : vector<1x1xf32>, vector<1x1xf32> -> vector<2x1xf32>
    %mul3A_32 = arith.constant 4096 : i32
    %mul3A_33 = arith.muli %arg0, %mul3A_32 : i32
    %iota3A = tpu.iota {dimensions = array<i32: 1>} : vector<1x4096xi32>
    %add3A_34 = vector.broadcast %mul3A_33 : i32 to vector<1x4096xi32>
    %add3A_35 = arith.addi %add3A_34, %iota3A : vector<1x4096xi32>
    %broadcast_in_dim3A_36 = arith.constant 0 : i32
    %broadcast_in_dim3A_37 = vector.broadcast %broadcast_in_dim3A_36 : i32 to vector<1x4096xi32>
    %get3A_38 = arith.constant 0 : index
    %get3A_39 = memref.load %arg7[%get3A_38] : memref<9xi32, #tpu.memory_space<smem>>
    %ge3A = vector.broadcast %get3A_39 : i32 to vector<1x4096xi32>
    %ge3A_40 = arith.cmpi sge, %add3A_35, %ge3A : vector<1x4096xi32>
    %get3A_41 = arith.constant 1 : index
    %get3A_42 = memref.load %arg7[%get3A_41] : memref<9xi32, #tpu.memory_space<smem>>
    %sub3A = arith.constant 1 : i32
    %sub3A_43 = arith.subi %get3A_42, %sub3A : i32
    %broadcast_in_dim3A_44 = vector.broadcast %sub3A_43 : i32 to vector<1x4096xi32>
    %select_n3A = arith.select %ge3A_40, %broadcast_in_dim3A_44, %broadcast_in_dim3A_37 : vector<1x4096xi1>, vector<1x4096xi32>
    %get3A_45 = arith.constant 1 : index
    %get3A_46 = memref.load %arg7[%get3A_45] : memref<9xi32, #tpu.memory_space<smem>>
    %ge3A_47 = vector.broadcast %get3A_46 : i32 to vector<1x4096xi32>
    %ge3A_48 = arith.cmpi sge, %add3A_35, %ge3A_47 : vector<1x4096xi32>
    %get3A_49 = arith.constant 2 : index
    %get3A_50 = memref.load %arg7[%get3A_49] : memref<9xi32, #tpu.memory_space<smem>>
    %sub3A_51 = arith.constant 1 : i32
    %sub3A_52 = arith.subi %get3A_50, %sub3A_51 : i32
    %broadcast_in_dim3A_53 = vector.broadcast %sub3A_52 : i32 to vector<1x4096xi32>
    %select_n3A_54 = arith.select %ge3A_48, %broadcast_in_dim3A_53, %select_n3A : vector<1x4096xi1>, vector<1x4096xi32>
    %get3A_55 = arith.constant 2 : index
    %get3A_56 = memref.load %arg7[%get3A_55] : memref<9xi32, #tpu.memory_space<smem>>
    %ge3A_57 = vector.broadcast %get3A_56 : i32 to vector<1x4096xi32>
    %ge3A_58 = arith.cmpi sge, %add3A_35, %ge3A_57 : vector<1x4096xi32>
    %get3A_59 = arith.constant 3 : index
    %get3A_60 = memref.load %arg7[%get3A_59] : memref<9xi32, #tpu.memory_space<smem>>
    %sub3A_61 = arith.constant 1 : i32
    %sub3A_62 = arith.subi %get3A_60, %sub3A_61 : i32
    %broadcast_in_dim3A_63 = vector.broadcast %sub3A_62 : i32 to vector<1x4096xi32>
    %select_n3A_64 = arith.select %ge3A_58, %broadcast_in_dim3A_63, %select_n3A_54 : vector<1x4096xi1>, vector<1x4096xi32>
    %get3A_65 = arith.constant 3 : index
    %get3A_66 = memref.load %arg7[%get3A_65] : memref<9xi32, #tpu.memory_space<smem>>
    %ge3A_67 = vector.broadcast %get3A_66 : i32 to vector<1x4096xi32>
    %ge3A_68 = arith.cmpi sge, %add3A_35, %ge3A_67 : vector<1x4096xi32>
    %get3A_69 = arith.constant 4 : index
    %get3A_70 = memref.load %arg7[%get3A_69] : memref<9xi32, #tpu.memory_space<smem>>
    %sub3A_71 = arith.constant 1 : i32
    %sub3A_72 = arith.subi %get3A_70, %sub3A_71 : i32
    %broadcast_in_dim3A_73 = vector.broadcast %sub3A_72 : i32 to vector<1x4096xi32>
    %select_n3A_74 = arith.select %ge3A_68, %broadcast_in_dim3A_73, %select_n3A_64 : vector<1x4096xi1>, vector<1x4096xi32>
    %get3A_75 = arith.constant 4 : index
    %get3A_76 = memref.load %arg7[%get3A_75] : memref<9xi32, #tpu.memory_space<smem>>
    %ge3A_77 = vector.broadcast %get3A_76 : i32 to vector<1x4096xi32>
    %ge3A_78 = arith.cmpi sge, %add3A_35, %ge3A_77 : vector<1x4096xi32>
    %get3A_79 = arith.constant 5 : index
    %get3A_80 = memref.load %arg7[%get3A_79] : memref<9xi32, #tpu.memory_space<smem>>
    %sub3A_81 = arith.constant 1 : i32
    %sub3A_82 = arith.subi %get3A_80, %sub3A_81 : i32
    %broadcast_in_dim3A_83 = vector.broadcast %sub3A_82 : i32 to vector<1x4096xi32>
    %select_n3A_84 = arith.select %ge3A_78, %broadcast_in_dim3A_83, %select_n3A_74 : vector<1x4096xi1>, vector<1x4096xi32>
    %get3A_85 = arith.constant 5 : index
    %get3A_86 = memref.load %arg7[%get3A_85] : memref<9xi32, #tpu.memory_space<smem>>
    %ge3A_87 = vector.broadcast %get3A_86 : i32 to vector<1x4096xi32>
    %ge3A_88 = arith.cmpi sge, %add3A_35, %ge3A_87 : vector<1x4096xi32>
    %get3A_89 = arith.constant 6 : index
    %get3A_90 = memref.load %arg7[%get3A_89] : memref<9xi32, #tpu.memory_space<smem>>
    %sub3A_91 = arith.constant 1 : i32
    %sub3A_92 = arith.subi %get3A_90, %sub3A_91 : i32
    %broadcast_in_dim3A_93 = vector.broadcast %sub3A_92 : i32 to vector<1x4096xi32>
    %select_n3A_94 = arith.select %ge3A_88, %broadcast_in_dim3A_93, %select_n3A_84 : vector<1x4096xi1>, vector<1x4096xi32>
    %get3A_95 = arith.constant 6 : index
    %get3A_96 = memref.load %arg7[%get3A_95] : memref<9xi32, #tpu.memory_space<smem>>
    %ge3A_97 = vector.broadcast %get3A_96 : i32 to vector<1x4096xi32>
    %ge3A_98 = arith.cmpi sge, %add3A_35, %ge3A_97 : vector<1x4096xi32>
    %get3A_99 = arith.constant 7 : index
    %get3A_100 = memref.load %arg7[%get3A_99] : memref<9xi32, #tpu.memory_space<smem>>
    %sub3A_101 = arith.constant 1 : i32
    %sub3A_102 = arith.subi %get3A_100, %sub3A_101 : i32
    %broadcast_in_dim3A_103 = vector.broadcast %sub3A_102 : i32 to vector<1x4096xi32>
    %select_n3A_104 = arith.select %ge3A_98, %broadcast_in_dim3A_103, %select_n3A_94 : vector<1x4096xi1>, vector<1x4096xi32>
    %get3A_105 = arith.constant 7 : index
    %get3A_106 = memref.load %arg7[%get3A_105] : memref<9xi32, #tpu.memory_space<smem>>
    %ge3A_107 = vector.broadcast %get3A_106 : i32 to vector<1x4096xi32>
    %ge3A_108 = arith.cmpi sge, %add3A_35, %ge3A_107 : vector<1x4096xi32>
    %get3A_109 = arith.constant 8 : index
    %get3A_110 = memref.load %arg7[%get3A_109] : memref<9xi32, #tpu.memory_space<smem>>
    %sub3A_111 = arith.constant 1 : i32
    %sub3A_112 = arith.subi %get3A_110, %sub3A_111 : i32
    %broadcast_in_dim3A_113 = vector.broadcast %sub3A_112 : i32 to vector<1x4096xi32>
    %select_n3A_114 = arith.select %ge3A_108, %broadcast_in_dim3A_113, %select_n3A_104 : vector<1x4096xi1>, vector<1x4096xi32>
    %add3A_115 = vector.broadcast %concatenate3A_31 : vector<2x1xf32> to vector<2x4096xf32>
    %add3A_116 = arith.addf %dot_general3A_25, %add3A_115 : vector<2x4096xf32>
    %convert_element_type3A = arith.sitofp %select_n3A_114 : vector<1x4096xi32> to vector<1x4096xf32>
    %concatenate3A_117 = tpu.concatenate %add3A_116, %convert_element_type3A in 0 : vector<2x4096xf32>, vector<1x4096xf32> -> vector<3x4096xf32>
    %swap3A = arith.constant 0 : index
    %swap3A_118 = arith.constant 0 : index
    %swap3A_119 = vector.load %arg10[%swap3A, %swap3A_118] : memref<3x4096xf32, #tpu.memory_space<vmem>>, vector<3x4096xf32>
    tpu.vector_store %arg10[%swap3A, %swap3A_118], %concatenate3A_117 {strides = array<i32>} : memref<3x4096xf32, #tpu.memory_space<vmem>>, vector<3x4096xf32>,
    return
  }
  func.func @transform_0(%arg0: i32) -> (i32, i32) {
    %c0_i32 = arith.constant 0 : i32
    %c0_i32_0 = arith.constant 0 : i32
    return %arg0, %c0_i32 : i32, i32
  }
  func.func @transform_1(%arg0: i32) -> (i32, i32) {
    %c0_i32 = arith.constant 0 : i32
    %c0_i32_0 = arith.constant 0 : i32
    %c0_i32_1 = arith.constant 0 : i32
    return %c0_i32, %c0_i32_0 : i32, i32
  }
  func.func @transform_2(%arg0: i32) -> (i32, i32) {
    %c0_i32 = arith.constant 0 : i32
    %c0_i32_0 = arith.constant 0 : i32
    %c0_i32_1 = arith.constant 0 : i32
    return %c0_i32, %c0_i32_0 : i32, i32
  }
  func.func @transform_3(%arg0: i32) -> (i32, i32) {
    %c0_i32 = arith.constant 0 : i32
    %c0_i32_0 = arith.constant 0 : i32
    %c0_i32_1 = arith.constant 0 : i32
    return %c0_i32, %c0_i32_0 : i32, i32
  }
  func.func @transform_4(%arg0: i32) -> (i32, i32) {
    %c0_i32 = arith.constant 0 : i32
    %c0_i32_0 = arith.constant 0 : i32
    %c0_i32_1 = arith.constant 0 : i32
    return %c0_i32, %c0_i32_0 : i32, i32
  }
  func.func @transform_5(%arg0: i32) -> (i32, i32) {
    %c0_i32 = arith.constant 0 : i32
    %c0_i32_0 = arith.constant 0 : i32
    %c0_i32_1 = arith.constant 0 : i32
    return %c0_i32, %c0_i32_0 : i32, i32
  }
  func.func @transform_6(%arg0: i32) -> i32 {
    %c0_i32 = arith.constant 0 : i32
    %c0_i32_0 = arith.constant 0 : i32
    return %c0_i32 : i32
  }
  func.func @transform_7(%arg0: i32) -> i32 {
    %c0_i32 = arith.constant 0 : i32
    %c0_i32_0 = arith.constant 0 : i32
    return %c0_i32 : i32
  }
  func.func @transform_8(%arg0: i32) -> i32 {
    %c0_i32 = arith.constant 0 : i32
    %c0_i32_0 = arith.constant 0 : i32
    return %c0_i32 : i32
  }
  func.func @transform_9(%arg0: i32) -> (i32, i32) {
    %c0_i32 = arith.constant 0 : i32
    %c0_i32_0 = arith.constant 0 : i32
    return %c0_i32, %arg0 : i32, i32
  }
}

</mosaic_0001>

<sc_bundles>
// kernel: kernel.4.cloned.1.call-start
scs
__scs_entry_jumppad:
0x0: {  	(pc) =	sbr.rel $0x88, $3  }
0x1: {  	(tag) =	ssettag $0x0;
	lr =	simm.s32 $0x1  }
0x2: {  	[smem:$0x3F98] =	sst lr;
	_ =	strace $0xD0000000  }
0x3: {  	_ = 	snop  }
0x4: {  	_ = 	snop  }
0x5: {  	_ = 	snop  }
0x6: {  	_ = 	snop  }
0x7: {  	_ = 	snop  }
__scs_overlays_trampoline_lowered:
0x8: {  	[smem:$0x3FA7] =	sst s0  }
0x9: {  	[smem:$0x3FA8] =	sst s1  }
0xa: {  	[smem:$0x3FA9] =	sst s2  }
0xb: {  	[smem:$0x3FAA] =	sst s3  }
0xc: {  	[smem:$0x3FAB] =	sst s4  }
0xd: {  	[smem:$0x3FAC] =	sst s5  }
0xe: {  	[smem:$0x3FAD] =	sst s6  }
0xf: {  	[smem:$0x3FAE] =	sst s7  }
0x10: {  	[smem:$0x3FAF] =	sst s8  }
0x11: {  	[smem:$0x3FB0] =	sst s9;
	s0 =	simm.s32 @!p0 $0x0  }
0x12: {  	s1 =	sld [smem:$0x3F96];
	s0 =	simm.s32 @p0 $0x1  }
0x13: {  	[smem:$0x3FB1] =	sst s0;
	s0 =	simm.s32 @!p1 $0x0  }
0x14: {  	s2 =	sld [smem:$0x3F95];
	s0 =	simm.s32 @p1 $0x1  }
0x15: {  	[smem:$0x3FB2] =	sst s0;
	s0 =	simm.s32 @!p2 $0x0  }
0x16: {  	s3 =	sld [smem:$0x3FDB];
	s0 =	simm.s32 @p2 $0x1  }
0x17: {  	s4 =	simm.s32 $0x1BF5;
	[smem:$0x3FB4] =	sst s0  }
0x18: {  	s0 =	sld [smem:$0x3F97];
	_ =	swait.ge [sflag:s4], $0x0  }
0x19: {  	s7 =	sld [smem:$0x3F98]  }
0x1a: {  	s8 =	sadd.s32 $0xFFFFE003, lr  }
0x1b: {  	s9 =	sadd.s32 $0xFFFFFEF7, lr;
	s5 =	simm.s32 $0xFFFFFFFF;
	p2 =	slt.u32 s8, $0xFFFFF086  }
0x1c: {  	p1 =	slt.u32 s9, $0xF7A;
	s5 =	simm.s32 @!p2 $0x0  }
0x1d: {  	s5 =	simm.s32 @p1 $0x1;
	p0 =	seq.s32 s7, s2  }
0x1e: {  	s7 =	smul.u32 @!p0 $0xF7A, s2;
	p2 =	seq.s32 @!p0 s5, $0x0  }
0x1f: {  	s9 =	smul.u32 $0xF7A, s1;
	s8 =	simm.s32 @!p0 $0x1BF5;
	p2 =	por !p2, p0  }
0x20: {  	[sflag:s8] =	ssyncset.s32 @!p0 $0xFFFFF086;
	s6 =	sadd.s32 @!p0 s3, s7;
	s7 =	simm.s32 @!p0 $0x108  }
0x21: {  	s3 =	sadd.s32 s3, s9;
	s6 =	sadd.s32 @!p0 $0x88, s6;
	s7 =	simm.s32 @p2 $0x1082  }
0x22: {  	[simem:s7], [sflag:s8] =	dma.local @!p0 [hbm:s6], $0xF7A  }
0x23: {  	s9 =	sor.u32 $0xD0000000, s2;
	s6 =	simm.s32 $0x108;
	_ =	swait.ge @!p0 [sflag:s8], $0x0  }
0x24: {  	s3 =	sadd.s32 $0x88, s3;
	s6 =	simm.s32 @!p1 $0x1082;
	[sflag:s4] =	ssyncset.s32 $0xFFFFF086  }
0x25: {  	[simem:s6], [sflag:s4] =	dma.local [hbm:s3], $0xF7A  }
0x26: {  	[smem:$0x3F98] =	sst s1;
	(tag) =	ssettag s2;
	_ =	strace s9  }
0x27: {  	s1 =	sld [smem:$0x3FA8]  }
0x28: {  	s2 =	sld [smem:$0x3FA9]  }
0x29: {  	s4 =	sld [smem:$0x3FAB]  }
0x2a: {  	p0 =	seq.s32 s5, $0x0;
	s5 =	sld [smem:$0x3FAC]  }
0x2b: {  	s6 =	sld [smem:$0x3FAD]  }
0x2c: {  	s7 =	sld [smem:$0x3FAE]  }
0x2d: {  	s3 =	simm.s32 $0x108;
	s8 =	sld [smem:$0x3FAF]  }
0x2e: {  	s3 =	simm.s32 @!p0 $0x1082;
	s9 =	sld [smem:$0x3FB0]  }
0x2f: {  	lr =	sadd.s32 s0, s3;
	s0 =	sld [smem:$0x3FA7]  }
0x30: {  	s3 =	sld [smem:$0x3FAA]  }
0x31: {  	[smem:$0x3FB3] =	sst s10  }
0x32: {  	s10 =	sld [smem:$0x3FB1];
	_ =	sdelay $0x3  }
0x33: {  	p0 =	seq.s32 s10, $0x1;
	s10 =	sld [smem:$0x3FB3];
	_ =	sdelay $0x3  }
0x34: {  	[smem:$0x3FB3] =	sst s10  }
0x35: {  	s10 =	sld [smem:$0x3FB2];
	_ =	sdelay $0x3  }
0x36: {  	p1 =	seq.s32 s10, $0x1;
	s10 =	sld [smem:$0x3FB3];
	_ =	sdelay $0x3  }
0x37: {  	[smem:$0x3FB3] =	sst s10  }
0x38: {  	s10 =	sld [smem:$0x3FB4]  }
0x39: {  	_ = 	snop;
	(pc) =	sbr.ind lr, $3  }
0x3a: {  	_ = 	snop  }
0x3b: {  	_ = 	snop  }
0x3c: {  	p2 =	seq.s32 s10, $0x1;
	s10 =	sld [smem:$0x3FB3]  }
0x3d: {  	_ =	shalt  }
0x3e: {  	_ =	shalt  }
0x3f: {  	_ =	shalt  }
0x40: {  	_ =	shalt  }
0x41: {  	_ =	shalt  }
0x42: {  	_ =	shalt  }
0x43: {  	_ =	shalt  }
0x44: {  	_ =	shalt  }
0x45: {  	_ =	shalt  }
0x46: {  	_ =	shalt  }
0x47: {  	_ =	shalt  }
0x48: {  	_ =	shalt  }
0x49: {  	_ =	shalt  }
0x4a: {  	_ =	shalt  }
0x4b: {  	_ =	shalt  }
0x4c: {  	_ =	shalt  }
0x4d: {  	_ =	shalt  }
0x4e: {  	_ =	shalt  }
0x4f: {  	_ =	shalt  }
0x50: {  	_ =	shalt  }
0x51: {  	_ =	shalt  }
0x52: {  	_ =	shalt  }
0x53: {  	_ =	shalt  }
0x54: {  	_ =	shalt  }
0x55: {  	_ =	shalt  }
0x56: {  	_ =	shalt  }
0x57: {  	_ =	shalt  }
0x58: {  	_ =	shalt  }
0x59: {  	_ =	shalt  }
0x5a: {  	_ =	shalt  }
0x5b: {  	_ =	shalt  }
0x5c: {  	_ =	shalt  }
0x5d: {  	_ =	shalt  }
0x5e: {  	_ =	shalt  }
0x5f: {  	_ =	shalt  }
0x60: {  	_ =	shalt  }
0x61: {  	_ =	shalt  }
0x62: {  	_ =	shalt  }
0x63: {  	_ =	shalt  }
0x64: {  	_ =	shalt  }
0x65: {  	_ =	shalt  }
0x66: {  	_ =	shalt  }
0x67: {  	_ =	shalt  }
0x68: {  	_ =	shalt  }
0x69: {  	_ =	shalt  }
0x6a: {  	_ =	shalt  }
0x6b: {  	_ =	shalt  }
0x6c: {  	_ =	shalt  }
0x6d: {  	_ =	shalt  }
0x6e: {  	_ =	shalt  }
0x6f: {  	_ =	shalt  }
0x70: {  	_ =	shalt  }
0x71: {  	_ =	shalt  }
0x72: {  	_ =	shalt  }
0x73: {  	_ =	shalt  }
0x74: {  	_ =	shalt  }
0x75: {  	_ =	shalt  }
0x76: {  	_ =	shalt  }
0x77: {  	_ =	shalt  }
0x78: {  	_ =	shalt  }
0x79: {  	_ =	shalt  }
0x7a: {  	_ =	shalt  }
0x7b: {  	_ =	shalt  }
0x7c: {  	_ =	shalt  }
0x7d: {  	_ =	shalt  }
0x7e: {  	_ =	shalt  }
0x7f: {  	_ =	shalt  }
0x80: {  	_ =	shalt  }
0x81: {  	_ =	shalt  }
0x82: {  	_ =	shalt  }
0x83: {  	_ =	shalt  }
0x84: {  	_ =	shalt  }
0x85: {  	_ =	shalt  }
0x86: {  	_ =	shalt  }
0x87: {  	_ =	shalt  }
.Lfunc_end0:
.L_simem_size_0:
called_computation_lowered:
.L_overlay_start_0:
0x88: {  	s2 =	sld [smem:$0x3FD9]  }
0x89: {  	s3 =	sld [smem:$0x3FFE];
	_ =	sdelay $0x1  }
0x8a: {  	s1 =	srdreg.scid  }
0x8b: {  	s0 =	sand.u32 $0x1, s1  }
0x8c: {  	s17 =	sshll.u32 s0, $0xA;
	s2 =	sadd.s32 s3, s2  }
0x8d: {  	s2 =	sadd.s32 s2, s17  }
0x8e: {  	[smem:$0x3FBF] =	sst s2  }
0x8f: {  	_ = 	snop  }
0x90: {  	s2 =	sld [smem:$0x3FD0];
	(tm) =	ssettm $0x1  }
0x91: {  	s18 =	sld [smem:$0x3FFB];
	_ =	sdelay $0x3  }
0x92: {  	_ =	strace s18  }
0x93: {  	s3 =	sld [smem:$0x3FFC];
	_ =	sdelay $0x3  }
0x94: {  	_ =	strace s3  }
0x95: {  	s3 =	sld [smem:$0x3FFD];
	_ =	sdelay $0x3  }
0x96: {  	_ =	strace s3  }
0x97: {  	_ =	strace $0x8FFFFFFF  }
0x98: {  	s19 =	sld [smem:$0x3FDB];
	_ =	sdelay $0x1  }
0x99: {  	s4 =	simm.s32 $_scs_section_size  }
0x9a: {  	s5 =	simm.s32 $_size__tile_overlayer_lowered;
	s6 =	simm.s32 $_tile_overlayer_lowered  }
0x9b: {  	s22 =	simm.s32 $0x1BFF;
	s21 =	sshll.u32 s6, $0x1;
	s3 =	sadd.s32 s4, s19  }
0x9c: {  	s7 =	simm.s32 $0x0;
	s20 =	sshll.u32 s5, $0x1;
	s5 =	sadd.s32 s21, s3  }
0x9d: {  	[timem:s7], [sflag:s22] =	dma.local [hbm:s5], s20  }
0x9e: {  	_ =	swait.ge [sflag:s22], s20  }
0x9f: {  	s4 =	ssub.s32 $0x0, s20;
	[sflag:s22] =	ssyncset.done $0x0  }
0xa0: {  	[sflag:s22] =	ssyncadd.s32 s4;
	_ =	sdelay $0x1  }
0xa1: {  	s23 =	simm.s32 $0x1B8B  }
0xa2: {  	_ =	swait.ge [sflag:s23], $0x1  }
0xa3: {  	[sflag:s23] =	ssyncset.done $0x0  }
0xa4: {  	s25 =	simm.s32 $0x1B8E;
	s24 =	sld [smem:$0x3FFE];
	[sflag:s23] =	ssyncadd.s32 $0xFFFFFFFF  }
0xa5: {  	s26 =	simm.s32 $execute0_lowered;
	[smem:$0x3FD2] =	sst s25  }
0xa6: {  	s5 =	sshll.u32 s26, $0x1;
	_ =	strace $0x80000046;
	[dreg:$0x1] =	wrdreg $0xFFFFFFFF  }
0xa7: {  	s28 =	simm.s32 $_size_execute0_lowered;
	s3 =	sadd.s32 s3, s5;
	[dreg:$0x0] =	wrdreg $0x0  }
0xa8: {  	s5 =	sshll.u32 s28, $0x1;
	[dreg:$0x2] =	wrdreg s3  }
0xa9: {  	[dreg:$0x3] =	wrdreg s5  }
0xaa: {  	[dreg:$0x4] =	wrdreg $0xC0  }
0xab: {  	_ =	task [dreg:s7], $0x5FFFF  }
0xac: {  	[dreg:$0x1] =	wrdreg $0xFFFFFFFF  }
0xad: {  	[dreg:$0x0] =	wrdreg $0x60  }
0xae: {  	[dreg:$0x2] =	wrdreg s24  }
0xaf: {  	[dreg:$0x3] =	wrdreg s2  }
0xb0: {  	[dreg:$0x4] =	wrdreg $0x9  }
0xb1: {  	_ =	task.clear_ibuf [dreg:s7], $0x5FFFF;
	_ =	strace $0x90000046  }
0xb2: {  	s29 =	simm.s32 $0x9;
	_ =	strace $0x80000048  }
0xb3: {  	_ =	swait.ge [sflag:s29], $0x1  }
0xb4: {  	[sflag:s29] =	ssyncadd.s32 $0xFFFFFFFF  }
0xb5: {  	_ =	strace $0x90000048  }
0xb6: {  	_ =	sfence  }
0xb7: {  	s30 =	sld [smem:$0x0];
	_ =	sdelay $0x2  }
0xb8: {  	s31 =	sshll.u32 s1, $0xD;
	s1 =	sshrl.u32 s1, $0x2  }
0xb9: {  	s3 =	sand.u32 $0x4000, s31;
	s1 =	sadd.s32 s1, s30  }
0xba: {  	s0 =	sor.u32 s3, s0;
	s1 =	sshll.u32 s1, $0x11  }
0xbb: {  	s0 =	sor.u32 s1, s0  }
0xbc: {  	s0 =	sadd.s32 $0x8F2B, s0  }
0xbd: {  	[sflag:s0] =	ssyncadd.remote.s32 $0x1  }
0xbe: {  	_ =	sfence.sel $0xFFFF  }
0xbf: {  	[dreg:$0x0] =	wrdreg $0xFFFFFFFF;
	(pc) =	sbr.abs _section_cstart, $3  }
0xc0: {  	[dreg:$0x1] =	wrdreg $0xFFFFFFFF  }
0xc1: {  	_ =	task.clear_ibuf [dreg:s7], $0x2FFFF;
	_ =	strace $0x9FFFFFFF  }
0xc2: {  	(tm) =	ssettm $0x7FFFFFFF  }
0xc3: {  	_ =	shalt  }
tec
execute0_lowered:
.L_overlay_start_1:
0x0: {  	(tag) =	ssettag $0x1  }
0x1: {  	s0 =	rddreg [dreg:$0x0]  }
0x2: {  	s1 =	rddreg [dreg:$0x1]  }
0x3: {  	s11 =	simm.s32 $0x0;
	s3 =	srdreg.scid;
	s2 =	stileid.u32  }
0x4: {  	s7 =	simm.s32 $0xFFFFFF80;
	[smem:$0x7FF] =	sst s11;
	s4 =	sand.u32 $0x1, s3  }
0x5: {  	s23 =	sshll.u32 s2, $0x1;
	s0 =	sadd.s32 $0xE00, s0;
	s3 =	simm.s32 $0x80  }
0x6: {  	s28 =	sshll.u32 s2, $0x9;
	_ =	strace $0x80000047;
	s6 =	sor.u32 s4, s23  }
0x7: {  	s5 =	ssub.s32 $0x2, s4;
	s4 =	sshll.u32 s4, $0x8;
	p0 =	seq.s32 s6, $0x1F  }
0x8: {  	s6 =	sshll.u32 s6, $0x8;
	s8 =	sshrl.u32 s5, $0x1;
	s30 =	sor.u32 s4, s28  }
0x9: {  	s7 =	simm.s32 @!p0 $0x0;
	s3 =	simm.s32 @!p0 $0x0;
	s5 =	ssub.s32 s5, s8  }
0xa: {  	s1 =	sadd.s32 s1, s6;
	[dreg:$0x3] =	wrdreg s30;
	s9 =	ssub.s32 s6, s3  }
0xb: {  	s7 =	sadd.s32 s6, s7;
	[dreg:$0x7] =	wrdreg s1;
	s31 =	smax.u32 s5, $0x1  }
0xc: {  	s24 =	sshrl.u32 s9, $0x3;
	s25 =	sadd.s32 $0x2000, s7;
	s7 =	sadd.s32 $0x4000, s7  }
0xd: {  	[dreg:$0x8] =	wrdreg s31;
	s8 =	sadd.s32 s0, s24;
	s26 =	sshrl.u32 s25, $0x3  }
0xe: {  	s7 =	sshrl.u32 s7, $0x3;
	[dreg:$0x4] =	wrdreg s8;
	s29 =	sadd.s32 s0, s26  }
0xf: {  	s0 =	sadd.s32 s0, s7;
	[dreg:$0x5] =	wrdreg s29  }
0x10: {  	v0 =	vlaneseq.u32;
	s14 =	simm.s32 $0x0;
	[dreg:$0x6] =	wrdreg s0  }
.LBB2_1:
0x11: {  	s0 =	rddreg [dreg:$0x4]  }
0x12: {  	[tilespmem:s11], [sflag:$0x1] =	stream.linear.gather [hbm4b:s0+s11], $0x180, $0x38;
	[tilespmem:$0xE00] =	vst v63  }
0x13: {  	s25 =	rddreg [dreg:$0x5];
	s1 =	simm.s32 $0x200  }
0x14: {  	[tilespmem:s1], [sflag:$0x1] =	stream.linear.gather [hbm4b:s25+s11], $0x180, $0x38;
	[tilespmem:$0xE00] =	vst v63  }
0x15: {  	s26 =	rddreg [dreg:$0x6];
	s28 =	simm.s32 $0x400;
	s2 =	simm.s32 $0x1  }
0x16: {  	[tilespmem:s28], [sflag:$0x1] =	stream.linear.gather [hbm4b:s26+s11], $0x180, $0x38;
	[tilespmem:$0xE00] =	vst v63  }
0x17: {  	_ =	swait.ge [sflag:s2], $0x180  }
0x18: {  	[sflag:s2] =	ssyncset.done $0x0  }
0x19: {  	[sflag:s2] =	ssyncadd.s32 $0xFFFFFE80  }
0x1a: {  	_ =	swait.ge [sflag:s2], $0x180  }
0x1b: {  	[sflag:s2] =	ssyncset.done $0x0  }
0x1c: {  	[sflag:s2] =	ssyncadd.s32 $0xFFFFFE80  }
0x1d: {  	s15 =	simm.s32 $0x30;
	s29 =	sadd.s32 $0x0, s3;
	_ =	swait.ge [sflag:s2], $0x180  }
0x1e: {  	s0 =	sand.u32 $0x180, s29;
	s4 =	sand.u32 $0x70, s15;
	[sflag:s2] =	ssyncset.done $0x0  }
0x1f: {  	s5 =	sor.u32 s4, s0;
	[sflag:s2] =	ssyncadd.s32 $0xFFFFFE80  }
0x20: {  	s30 =	rddreg [dreg:$0x3];
	v10 =	vld [tilespmem:s5+$0x400]  }
0x21: {  	s1 =	sadd.s32 $0x30, s30;
	v1 =	vld [tilespmem:s5+$0x200]  }
0x22: {  	s19 =	simm.s32 $0x10;
	v2 =	vor.u32 s1, v0  }
0x23: {  	s7 =	sand.u32 $0x50, s19;
	v13 =	vcvt.s32.f32 v2  }
0x24: {  	s6 =	sand.u32 $0x400, s11;
	s8 =	sor.u32 s7, s0  }
0x25: {  	s20 =	simm.s32 $0x0;
	s6 =	sadd.s32 $0x600, s6;
	v5 =	vld [tilespmem:s8+$0x400];
	vm1 =	vge.f32 v10, v13  }
0x26: {  	s9 =	sand.u32 $0x40, s20;
	s4 =	sor.u32 s4, s6;
	v9 =	vld [tilespmem:s8+$0x200];
	v1 =	vnsel vm1, $0x0, v1  }
0x27: {  	s23 =	sor.u32 s9, s0;
	v2 =	vld [tilespmem:s5+$0x0];
	[tilespmem:s4+$0x0] =	vst v1  }
0x28: {  	v4 =	vld [tilespmem:s23+$0x31]  }
0x29: {  	s21 =	simm.s32 $0x20;
	s31 =	sadd.s32 $0xFFFFFFE0, s1;
	v6 =	vld [tilespmem:s23+$0x400]  }
0x2a: {  	s10 =	sand.u32 $0x60, s21;
	s12 =	sadd.s32 $0xFFFFFFD0, s1;
	v11 =	vld [tilespmem:s23+$0x200];
	v7 =	vor.u32 s31, v0;
	v3 =	vadd.f32 $1.000000000e+00, v13  }
0x2b: {  	s13 =	sor.u32 s10, s0;
	v8 =	vor.u32 s12, v0;
	v7 =	vcvt.s32.f32 v7  }
0x2c: {  	v12 =	vld [tilespmem:s13+$0x200];
	v8 =	vcvt.s32.f32 v8;
	vm0 =	vle.f32 v3, v10  }
0x2d: {  	v15 =	vld [tilespmem:s8+$0x0];
	vm2 =	vge.f32 v5, v7;
	v2 =	vnsel vm1, $0xF149F2CA, v2;
	v4 =	vnsel vm0, $0xF149F2CA, v4  }
0x2e: {  	s2 =	sor.u32 s7, s6;
	v16 =	vld [tilespmem:s23+$0x0];
	vm3 =	vge.f32 v6, v8;
	v9 =	vnsel vm2, $0x0, v9;
	v14 =	vmax.f32 v2, v4  }
0x2f: {  	s8 =	sor.u32 s9, s6;
	v3 =	vld [tilespmem:s13+$0x400];
	v11 =	vnsel vm3, $0x0, v11;
	[tilespmem:s2+$0x0] =	vst v9;
	v2 =	vsub.f32 v2, v14  }
0x30: {  	s7 =	sadd.s32 $0xFFFFFFF0, s1;
	v20 =	vadd.f32 $1.000000000e+00, v7;
	[tilespmem:s8+$0x0] =	vst v11;
	v18 =	vld [tilespmem:s23+$0x11]  }
0x31: {  	v19 =	vld [tilespmem:s23+$0x1];
	v17 =	vsub.f32 v4, v14;
	v4 =	vor.u32 s7, v0;
	v2 =	vmul.f32 $1.442695020e+00, v2  }
0x32: {  	vm1 =	vle.f32 v20, v5;
	v4 =	vcvt.s32.f32 v4  }
0x33: {  	v17 =	vmul.f32 $1.442695020e+00, v17;
	(erf) = vpow2.f32 v2;
	v2 =	vadd.f32 $1.000000000e+00, v8  }
0x34: {  	v15 =	vnsel vm2, $0xF149F2CA, v15;
	v16 =	vnsel vm3, $0xF149F2CA, v16;
	vm4 =	vge.f32 v3, v4  }
0x35: {  	(erf) = vpow2.f32 v17;
	vm2 =	vle.f32 v2, v6;
	v2 =	vnsel vm1, $0xF149F2CA, v18  }
0x36: {  	s9 =	sor.u32 s10, s6;
	v12 =	vnsel vm4, $0x0, v12;
	v18 =	vmax.f32 v15, v2;
	v19 =	vnsel vm2, $0xF149F2CA, v19  }
0x37: {  	v17 =	vld [tilespmem:s13+$0x0];
	[tilespmem:s9+$0x0] =	vst v12;
	v15 =	vsub.f32 v15, v18;
	v20 =	vmax.f32 v16, v19  }
0x38: {  	v21 =	vld [tilespmem:s23+$0x21];
	v16 =	vsub.f32 v16, v20  }
0x39: {  	v22 =	vadd.f32 $1.000000000e+00, v4;
	v15 =	vmul.f32 $1.442695020e+00, v15  }
0x3a: {  	v19 =	vsub.f32 v19, v20;
	v16 =	vmul.f32 $1.442695020e+00, v16  }
0x3b: {  	vm3 =	vle.f32 v22, v3;
	v2 =	vsub.f32 v2, v18  }
0x3c: {  	v17 =	vnsel vm4, $0xF149F2CA, v17;
	v19 =	vmul.f32 $1.442695020e+00, v19;
	(erf) = vpow2.f32 v15  }
0x3d: {  	v2 =	vmul.f32 $1.442695020e+00, v2;
	v21 =	vnsel vm3, $0xF149F2CA, v21;
	v15 =	vpop (erf);
	(erf) = vpow2.f32 v16  }
0x3e: {  	v22 =	vmax.f32 v17, v21;
	v16 =	vpop (erf);
	(erf) = vpow2.f32 v19  }
0x3f: {  	v19 =	vadd.f32 v16, v15;
	(erf) = vpow2.f32 v2;
	v2 =	vsub.f32 v17, v22;
	v17 =	vld [tilespmem:s23+$0x231];
	_ =	sdelay $0x1  }
0x40: {  	v21 =	vsub.f32 v21, v22;
	(erf) = vrcp.f32 v19  }
0x41: {  	v2 =	vmul.f32 $1.442695020e+00, v2  }
0x42: {  	v21 =	vmul.f32 $1.442695020e+00, v21  }
0x43: {  	v17 =	vnsel vm0, $0x0, v17  }
0x44: {  	v1 =	vmul.f32 v15, v1;
	v15 =	vmul.f32 v16, v17  }
0x45: {  	(erf) = vpow2.f32 v2;
	v2 =	vpop (erf)  }
0x46: {  	(erf) = vpow2.f32 v21;
	v21 =	vpop (erf)  }
0x47: {  	v16 =	vpop (erf)  }
0x48: {  	v1 =	vadd.f32 v15, v1;
	v15 =	vpop (erf)  }
0x49: {  	v17 =	vpop (erf)  }
0x4a: {  	v17 =	vmul.f32 v17, v1  }
0x4b: {  	v23 =	vadd.f32 v16, v21  }
0x4c: {  	v24 =	vld [tilespmem:s23+$0x211];
	v25 =	vadd.f32 v15, v2  }
0x4d: {  	v26 =	vld [tilespmem:s23+$0x201];
	(erf) = vrcp.f32 v23;
	[tilespmem:s4+$0x80] =	vst v17  }
0x4e: {  	(erf) = vrcp.f32 v25;
	v27 =	vld [tilespmem:s23+$0x32];
	v17 =	vpop (erf)  }
0x4f: {  	v30 =	vadd.f32 $2.000000000e+00, v13;
	v28 =	vpop (erf)  }
0x50: {  	v31 =	vld [tilespmem:s23+$0x221];
	v29 =	vadd.f32 v28, v17  }
0x51: {  	v24 =	vnsel vm1, $0x0, v24;
	vm1 =	vle.f32 v30, v10;
	v2 =	vmul.f32 v2, v9  }
0x52: {  	v26 =	vnsel vm2, $0x0, v26;
	v9 =	vmul.f32 v15, v24;
	(erf) = vrcp.f32 v29  }
0x53: {  	v11 =	vmul.f32 v21, v11;
	v16 =	vmul.f32 v16, v26;
	v21 =	vnsel vm1, $0xF149F2CA, v27  }
0x54: {  	v15 =	vmax.f32 v14, v21  }
0x55: {  	v11 =	vadd.f32 v16, v11;
	v16 =	vnsel vm3, $0x0, v31;
	v14 =	vsub.f32 v14, v15  }
0x56: {  	v2 =	vadd.f32 v9, v2;
	v12 =	vmul.f32 v17, v12;
	v16 =	vmul.f32 v28, v16;
	v9 =	vpop (erf)  }
0x57: {  	v9 =	vmul.f32 v9, v11;
	v17 =	vpop (erf);
	v21 =	vsub.f32 v21, v15;
	v14 =	vmul.f32 $1.442695020e+00, v14  }
0x58: {  	v17 =	vmul.f32 v17, v2  }
0x59: {  	[tilespmem:s8+$0x80] =	vst v9;
	v9 =	vmul.f32 $1.442695020e+00, v21;
	(erf) = vpow2.f32 v14  }
0x5a: {  	v12 =	vadd.f32 v16, v12;
	[tilespmem:s2+$0x80] =	vst v17;
	v14 =	vld [tilespmem:s23+$0x2]  }
0x5b: {  	v17 =	vld [tilespmem:s23+$0x12];
	(erf) = vpow2.f32 v9;
	v16 =	vpop (erf)  }
0x5c: {  	v9 =	vadd.f32 $2.000000000e+00, v8;
	v16 =	vmul.f32 v16, v12  }
0x5d: {  	v21 =	vadd.f32 $2.000000000e+00, v7  }
0x5e: {  	vm0 =	vle.f32 v9, v6;
	[tilespmem:s9+$0x80] =	vst v16  }
0x5f: {  	vm2 =	vle.f32 v21, v5;
	v9 =	vnsel vm0, $0xF149F2CA, v14;
	v14 =	vld [tilespmem:s23+$0x22]  }
0x60: {  	v21 =	vadd.f32 $2.000000000e+00, v4;
	v17 =	vnsel vm2, $0xF149F2CA, v17;
	v16 =	vmax.f32 v20, v9  }
0x61: {  	v24 =	vmax.f32 v18, v17;
	v20 =	vsub.f32 v20, v16  }
0x62: {  	v18 =	vsub.f32 v18, v24;
	v26 =	vpop (erf)  }
0x63: {  	vm3 =	vle.f32 v21, v3;
	v20 =	vmul.f32 $1.442695020e+00, v20;
	v19 =	vmul.f32 v26, v19  }
0x64: {  	v18 =	vmul.f32 $1.442695020e+00, v18;
	v21 =	vpop (erf);
	v14 =	vnsel vm3, $0xF149F2CA, v14  }
0x65: {  	(erf) = vpow2.f32 v20;
	v19 =	vadd.f32 v19, v21;
	v20 =	vmax.f32 v22, v14  }
0x66: {  	(erf) = vpow2.f32 v18;
	v18 =	vld [tilespmem:s23+$0x232];
	v22 =	vsub.f32 v22, v20  }
0x67: {  	v9 =	vsub.f32 v9, v16;
	(erf) = vrcp.f32 v19  }
0x68: {  	v17 =	vsub.f32 v17, v24;
	v22 =	vmul.f32 $1.442695020e+00, v22  }
0x69: {  	v9 =	vmul.f32 $1.442695020e+00, v9;
	v14 =	vsub.f32 v14, v20  }
0x6a: {  	v17 =	vmul.f32 $1.442695020e+00, v17;
	(erf) = vpow2.f32 v22  }
0x6b: {  	(erf) = vpow2.f32 v9;
	v9 =	vmul.f32 $1.442695020e+00, v14;
	v14 =	vnsel vm1, $0x0, v18  }
0x6c: {  	v14 =	vmul.f32 v21, v14  }
0x6d: {  	v1 =	vmul.f32 v26, v1  }
0x6e: {  	(erf) = vpow2.f32 v17;
	v17 =	vpop (erf)  }
0x6f: {  	(erf) = vpow2.f32 v9;
	v1 =	vadd.f32 v14, v1;
	v9 =	vpop (erf)  }
0x70: {  	v14 =	vpop (erf)  }
0x71: {  	v14 =	vmul.f32 v14, v1;
	_ =	sdelay $0x1  }
0x72: {  	[tilespmem:s4+$0x100] =	vst v14  }
0x73: {  	v21 =	vld [tilespmem:s23+$0x33]  }
0x74: {  	v14 =	vmul.f32 v17, v23;
	v18 =	vpop (erf)  }
0x75: {  	v34 =	vadd.f32 $3.000000000e+00, v13;
	v23 =	vpop (erf)  }
0x76: {  	v22 =	vmul.f32 v9, v25;
	v14 =	vadd.f32 v14, v23  }
0x77: {  	vm1 =	vle.f32 v34, v10;
	v25 =	vld [tilespmem:s23+$0x202];
	v26 =	vmul.f32 v18, v29;
	v27 =	vpop (erf)  }
0x78: {  	v22 =	vadd.f32 v22, v27;
	v36 =	vpop (erf);
	(erf) = vrcp.f32 v14;
	v21 =	vnsel vm1, $0xF149F2CA, v21  }
0x79: {  	v37 =	vld [tilespmem:s23+$0x222];
	v26 =	vadd.f32 v26, v36;
	v38 =	vmax.f32 v15, v21  }
0x7a: {  	v35 =	vld [tilespmem:s23+$0x212];
	(erf) = vrcp.f32 v22;
	v15 =	vsub.f32 v15, v38  }
0x7b: {  	v2 =	vmul.f32 v9, v2;
	(erf) = vrcp.f32 v26  }
0x7c: {  	v25 =	vnsel vm0, $0x0, v25;
	v9 =	vmul.f32 $1.442695020e+00, v15;
	v15 =	vsub.f32 v21, v38  }
0x7d: {  	v11 =	vmul.f32 v17, v11;
	v17 =	vmul.f32 v23, v25  }
0x7e: {  	v23 =	vnsel vm3, $0x0, v37;
	v15 =	vmul.f32 $1.442695020e+00, v15;
	(erf) = vpow2.f32 v9  }
0x7f: {  	v29 =	vnsel vm2, $0x0, v35;
	v9 =	vmul.f32 v18, v12;
	v12 =	vmul.f32 v36, v23  }
0x80: {  	v11 =	vadd.f32 v17, v11;
	v21 =	vmul.f32 v27, v29  }
0x81: {  	v17 =	vpop (erf);
	(erf) = vpow2.f32 v15  }
0x82: {  	v2 =	vadd.f32 v21, v2;
	v15 =	vmul.f32 v17, v11  }
0x83: {  	v9 =	vadd.f32 v12, v9;
	v12 =	vpop (erf)  }
0x84: {  	[tilespmem:s8+$0x100] =	vst v15;
	v12 =	vmul.f32 v12, v2;
	v17 =	vpop (erf)  }
0x85: {  	v15 =	vld [tilespmem:s23+$0x3];
	v17 =	vmul.f32 v17, v9  }
0x86: {  	[tilespmem:s2+$0x100] =	vst v12  }
0x87: {  	v12 =	vld [tilespmem:s23+$0x13];
	[tilespmem:s9+$0x100] =	vst v17;
	v17 =	vadd.f32 $3.000000000e+00, v8  }
0x88: {  	v18 =	vld [tilespmem:s23+$0x23];
	v25 =	vpop (erf)  }
0x89: {  	v21 =	vadd.f32 $3.000000000e+00, v7;
	vm4 =	vle.f32 v17, v6;
	v17 =	vmul.f32 v25, v19  }
0x8a: {  	v23 =	vadd.f32 $3.000000000e+00, v4;
	v15 =	vnsel vm4, $0xF149F2CA, v15;
	v19 =	vpop (erf)  }
0x8b: {  	vm2 =	vle.f32 v21, v5;
	v21 =	vmax.f32 v16, v15;
	v17 =	vadd.f32 v17, v19  }
0x8c: {  	vm0 =	vle.f32 v23, v3;
	v12 =	vnsel vm2, $0xF149F2CA, v12;
	v16 =	vsub.f32 v16, v21  }
0x8d: {  	v39 =	vld [tilespmem:s23+$0x233];
	v23 =	vmax.f32 v24, v12;
	v18 =	vnsel vm0, $0xF149F2CA, v18;
	(erf) = vrcp.f32 v17  }
0x8e: {  	v15 =	vsub.f32 v15, v21;
	v24 =	vsub.f32 v24, v23;
	v27 =	vmax.f32 v20, v18  }
0x8f: {  	v1 =	vmul.f32 v25, v1;
	v16 =	vmul.f32 $1.442695020e+00, v16;
	v20 =	vsub.f32 v20, v27  }
0x90: {  	v12 =	vsub.f32 v12, v23;
	v15 =	vmul.f32 $1.442695020e+00, v15;
	v24 =	vmul.f32 $1.442695020e+00, v24  }
0x91: {  	(erf) = vpow2.f32 v16;
	v16 =	vsub.f32 v18, v27;
	v20 =	vmul.f32 $1.442695020e+00, v20  }
0x92: {  	v12 =	vmul.f32 $1.442695020e+00, v12;
	v18 =	vnsel vm1, $0x0, v39;
	(erf) = vpow2.f32 v24  }
0x93: {  	v18 =	vmul.f32 v19, v18;
	(erf) = vpow2.f32 v20  }
0x94: {  	(erf) = vpow2.f32 v15  }
0x95: {  	(erf) = vpow2.f32 v12;
	v12 =	vadd.f32 v18, v1  }
0x96: {  	v16 =	vmul.f32 $1.442695020e+00, v16;
	v1 =	vpop (erf)  }
0x97: {  	v1 =	vmul.f32 v1, v12  }
0x98: {  	(erf) = vpow2.f32 v16;
	_ =	sdelay $0x1  }
0x99: {  	[tilespmem:s4+$0x180] =	vst v1  }
0x9a: {  	v15 =	vld [tilespmem:s23+$0x34];
	v1 =	vpop (erf)  }
0x9b: {  	v16 =	vpop (erf)  }
0x9c: {  	v19 =	vadd.f32 $4.000000000e+00, v13;
	v14 =	vmul.f32 v1, v14;
	v18 =	vpop (erf);
	v20 =	vmul.f32 v16, v22  }
0x9d: {  	v22 =	vpop (erf)  }
0x9e: {  	vm3 =	vle.f32 v19, v10;
	v14 =	vadd.f32 v14, v22;
	v25 =	vpop (erf)  }
0x9f: {  	v24 =	vmul.f32 v18, v26;
	v15 =	vnsel vm3, $0xF149F2CA, v15;
	v19 =	vadd.f32 v20, v25  }
0xa0: {  	v26 =	vld [tilespmem:s23+$0x203];
	v40 =	vmax.f32 v38, v15;
	v20 =	vpop (erf);
	(erf) = vrcp.f32 v14  }
0xa1: {  	v41 =	vld [tilespmem:s23+$0x213];
	v42 =	vsub.f32 v38, v40;
	v24 =	vadd.f32 v24, v20;
	(erf) = vrcp.f32 v19  }
0xa2: {  	v43 =	vld [tilespmem:s23+$0x223]  }
0xa3: {  	v15 =	vsub.f32 v15, v40;
	v30 =	vmul.f32 $1.442695020e+00, v42;
	(erf) = vrcp.f32 v24  }
0xa4: {  	v1 =	vmul.f32 v1, v11;
	v2 =	vmul.f32 v16, v2  }
0xa5: {  	v11 =	vnsel vm4, $0x0, v26;
	v15 =	vmul.f32 $1.442695020e+00, v15;
	(erf) = vpow2.f32 v30  }
0xa6: {  	v26 =	vnsel vm2, $0x0, v41;
	v11 =	vmul.f32 v22, v11  }
0xa7: {  	v16 =	vnsel vm0, $0x0, v43;
	v22 =	vmul.f32 v25, v26;
	(erf) = vpow2.f32 v15  }
0xa8: {  	v9 =	vmul.f32 v18, v9;
	v11 =	vadd.f32 v11, v1;
	v1 =	vmul.f32 v20, v16  }
0xa9: {  	v15 =	vadd.f32 v22, v2;
	v2 =	vpop (erf)  }
0xaa: {  	v16 =	vadd.f32 v1, v9;
	v1 =	vmul.f32 v2, v11;
	v2 =	vpop (erf)  }
0xab: {  	v2 =	vmul.f32 v2, v15  }
0xac: {  	v9 =	vpop (erf);
	[tilespmem:s8+$0x180] =	vst v1  }
0xad: {  	v25 =	vadd.f32 $4.000000000e+00, v4;
	v1 =	vmul.f32 v9, v16;
	v9 =	vld [tilespmem:s23+$0x4];
	[tilespmem:s2+$0x180] =	vst v2  }
0xae: {  	v20 =	vpop (erf);
	v18 =	vld [tilespmem:s23+$0x14]  }
0xaf: {  	vm0 =	vle.f32 v25, v3;
	v25 =	vld [tilespmem:s23+$0x234];
	v2 =	vmul.f32 v20, v17;
	[tilespmem:s9+$0x180] =	vst v1;
	v1 =	vadd.f32 $4.000000000e+00, v8  }
0xb0: {  	v17 =	vadd.f32 $4.000000000e+00, v7;
	v26 =	vpop (erf);
	v22 =	vld [tilespmem:s23+$0x24]  }
0xb1: {  	v44 =	vadd.f32 v2, v26;
	vm2 =	vle.f32 v1, v6  }
0xb2: {  	vm1 =	vle.f32 v17, v5;
	v17 =	vnsel vm2, $0xF149F2CA, v9  }
0xb3: {  	(erf) = vrcp.f32 v44;
	v2 =	vmax.f32 v21, v17;
	v18 =	vnsel vm1, $0xF149F2CA, v18  }
0xb4: {  	v25 =	vnsel vm3, $0x0, v25;
	v21 =	vsub.f32 v21, v2;
	v9 =	vmax.f32 v23, v18  }
0xb5: {  	v12 =	vmul.f32 v20, v12;
	v22 =	vnsel vm0, $0xF149F2CA, v22;
	v23 =	vsub.f32 v23, v9  }
0xb6: {  	v17 =	vsub.f32 v17, v2;
	v1 =	vmax.f32 v27, v22;
	v21 =	vmul.f32 $1.442695020e+00, v21  }
0xb7: {  	v20 =	vmul.f32 v26, v25;
	v27 =	vsub.f32 v27, v1;
	v23 =	vmul.f32 $1.442695020e+00, v23  }
0xb8: {  	v17 =	vmul.f32 $1.442695020e+00, v17;
	(erf) = vpow2.f32 v21  }
0xb9: {  	v18 =	vsub.f32 v18, v9;
	v21 =	vmul.f32 $1.442695020e+00, v27;
	(erf) = vpow2.f32 v23  }
0xba: {  	s10 =	sand.u32 $0x7, s11;
	v22 =	vsub.f32 v22, v1  }
0xbb: {  	s0 =	sshll.u32 s10, $0x4;
	v12 =	vadd.f32 v20, v12;
	v18 =	vmul.f32 $1.442695020e+00, v18;
	(erf) = vpow2.f32 v21  }
0xbc: {  	s0 =	sadd.s32 $0x0, s0;
	v20 =	vmul.f32 $1.442695020e+00, v22;
	(erf) = vpow2.f32 v17;
	v17 =	vpop (erf)  }
0xbd: {  	s6 =	sadd.s32 $0x30, s0;
	(erf) = vpow2.f32 v18;
	v17 =	vmul.f32 v17, v12  }
0xbe: {  	s12 =	sor.u32 $0x200, s6;
	(erf) = vpow2.f32 v20  }
0xbf: {  	[tilespmem:s12+$0x600] =	vst v17  }
0xc0: {  	v17 =	vld [tilespmem:s23+$0x35]  }
0xc1: {  	v20 =	vadd.f32 $5.000000000e+00, v13;
	v18 =	vpop (erf)  }
0xc2: {  	v21 =	vpop (erf);
	v14 =	vmul.f32 v18, v14  }
0xc3: {  	v19 =	vmul.f32 v21, v19  }
0xc4: {  	vm3 =	vle.f32 v20, v10;
	v22 =	vpop (erf)  }
0xc5: {  	v20 =	vpop (erf);
	v17 =	vnsel vm3, $0xF149F2CA, v17  }
0xc6: {  	v23 =	vmul.f32 v22, v24;
	v26 =	vadd.f32 v14, v20;
	v14 =	vpop (erf);
	v45 =	vmax.f32 v40, v17  }
0xc7: {  	v24 =	vadd.f32 v19, v14;
	v19 =	vpop (erf);
	v27 =	vsub.f32 v40, v45  }
0xc8: {  	v25 =	vadd.f32 v23, v19;
	(erf) = vrcp.f32 v26  }
0xc9: {  	v17 =	vsub.f32 v17, v45;
	(erf) = vrcp.f32 v24;
	v23 =	vmul.f32 $1.442695020e+00, v27  }
0xca: {  	(erf) = vrcp.f32 v25  }
0xcb: {  	v17 =	vmul.f32 $1.442695020e+00, v17;
	(erf) = vpow2.f32 v23;
	_ =	sdelay $0x1  }
0xcc: {  	(erf) = vpow2.f32 v17;
	_ =	sdelay $0x3  }
0xcd: {  	v17 =	vld [tilespmem:s23+$0x204];
	v27 =	vpop (erf)  }
0xce: {  	v23 =	vld [tilespmem:s23+$0x214];
	v46 =	vpop (erf)  }
0xcf: {  	v32 =	vld [tilespmem:s23+$0x224];
	v47 =	vpop (erf)  }
0xd0: {  	v33 =	vpop (erf)  }
0xd1: {  	v29 =	vmul.f32 v33, v44  }
0xd2: {  	v11 =	vmul.f32 v18, v11;
	v15 =	vmul.f32 v21, v15;
	v35 =	vnsel vm2, $0x0, v17;
	v34 =	vpop (erf)  }
0xd3: {  	v18 =	vnsel vm1, $0x0, v23;
	v20 =	vmul.f32 v20, v35;
	v17 =	vadd.f32 v29, v34  }
0xd4: {  	p0 =	por $0x0, $0x0;
	s1 =	simm.s32 $0x1;
	v21 =	vnsel vm0, $0x0, v32;
	v16 =	vmul.f32 v22, v16;
	v14 =	vmul.f32 v14, v18  }
0xd5: {  	s1 =	simm.s32 @!p0 $0x0;
	v48 =	vld [tilespmem:s23+$0x235];
	v18 =	vmul.f32 v19, v21;
	v23 =	vadd.f32 v20, v11;
	(erf) = vrcp.f32 v17  }
0xd6: {  	s1 =	sshll.u32 s1, $0x6;
	s13 =	sand.u32 $0x3, s11;
	v22 =	vadd.f32 v14, v15  }
0xd7: {  	s1 =	sadd.s32 $0x0, s1;
	s4 =	sshll.u32 s13, $0x5;
	v19 =	vadd.f32 v18, v16;
	v11 =	vmul.f32 v27, v23  }
0xd8: {  	s16 =	sor.u32 $0x200, s1;
	s17 =	sadd.s32 $0x0, s4;
	s4 =	sadd.s32 $0x10, s0;
	v14 =	vmul.f32 v46, v22  }
0xd9: {  	s0 =	sadd.s32 $0x20, s17;
	s18 =	sor.u32 $0x200, s4;
	[tilespmem:s16+$0x600] =	vst v11;
	v11 =	vmul.f32 v47, v19  }
0xda: {  	s7 =	sor.u32 $0x200, s0;
	v15 =	vnsel vm3, $0x0, v48;
	v12 =	vmul.f32 v33, v12;
	[tilespmem:s18+$0x600] =	vst v14;
	v16 =	vld [tilespmem:s23+$0x5]  }
0xdb: {  	v15 =	vmul.f32 v34, v15;
	v18 =	vld [tilespmem:s23+$0x15];
	[tilespmem:s7+$0x600] =	vst v11  }
0xdc: {  	v14 =	vadd.f32 $5.000000000e+00, v8;
	v11 =	vld [tilespmem:s23+$0x25]  }
0xdd: {  	v27 =	vadd.f32 v15, v12  }
0xde: {  	s22 =	sadd.s32 $0x40, s3;
	s17 =	simm.s32 $0x70;
	v15 =	vadd.f32 $5.000000000e+00, v7;
	vm1 =	vle.f32 v14, v6;
	v14 =	vadd.f32 $5.000000000e+00, v4;
	v12 =	vpop (erf)  }
0xdf: {  	s5 =	sand.u32 $0x180, s22;
	v51 =	vadd.f32 $6.000000000e+00, v13;
	s26 =	sand.u32 $0x70, s17;
	v16 =	vnsel vm1, $0xF149F2CA, v16;
	v12 =	vmul.f32 v12, v27  }
0xe0: {  	s24 =	sor.u32 $0x280, s15;
	s28 =	sor.u32 s26, s5;
	vm3 =	vle.f32 v15, v5;
	vm2 =	vle.f32 v14, v3;
	v21 =	vmax.f32 v2, v16  }
0xe1: {  	s25 =	rddreg [dreg:$0x3];
	v14 =	vsub.f32 v2, v21;
	v11 =	vnsel vm2, $0xF149F2CA, v11;
	v2 =	vld [tilespmem:s28+$0x400];
	[tilespmem:s24+$0x600] =	vst v12;
	v12 =	vnsel vm3, $0xF149F2CA, v18  }
0xe2: {  	v49 =	vld [tilespmem:s28+$0x200];
	s8 =	sadd.s32 $0x70, s25;
	v16 =	vsub.f32 v16, v21;
	v20 =	vmax.f32 v1, v11;
	v18 =	vmax.f32 v9, v12  }
0xe3: {  	s25 =	sadd.s32 $0xFFFFFFD0, s8;
	v50 =	vsub.f32 v1, v20;
	v1 =	vor.u32 s8, v0;
	v15 =	vld [tilespmem:s23+$0x36];
	v9 =	vsub.f32 v9, v18  }
0xe4: {  	v57 =	vor.u32 s25, v0;
	s18 =	simm.s32 $0x200;
	v14 =	vmul.f32 $1.442695020e+00, v14;
	v1 =	vcvt.s32.f32 v1  }
0xe5: {  	s29 =	simm.s32 $0x50;
	vm0 =	vle.f32 v51, v10;
	s30 =	sand.u32 $0x400, s18;
	v16 =	vmul.f32 $1.442695020e+00, v16;
	v9 =	vmul.f32 $1.442695020e+00, v9  }
0xe6: {  	s31 =	simm.s32 $0x40;
	s22 =	sand.u32 $0x50, s29;
	s2 =	sadd.s32 $0x600, s30;
	v29 =	vmul.f32 $1.442695020e+00, v50;
	(erf) = vpow2.f32 v14;
	vm5 =	vge.f32 v2, v1  }
0xe7: {  	s13 =	sand.u32 $0x40, s31;
	v52 =	vld [tilespmem:s28+$0x0];
	s12 =	sor.u32 s26, s2;
	s24 =	sor.u32 s22, s5;
	v34 =	vnsel vm5, $0x0, v49;
	v12 =	vsub.f32 v12, v18;
	(erf) = vpow2.f32 v9  }
0xe8: {  	s16 =	sor.u32 s13, s5;
	v11 =	vsub.f32 v11, v20;
	[tilespmem:s12+$0x0] =	vst v34;
	v14 =	vnsel vm0, $0xF149F2CA, v15;
	v9 =	vld [tilespmem:s24+$0x400];
	(erf) = vpow2.f32 v29  }
0xe9: {  	v12 =	vmul.f32 $1.442695020e+00, v12;
	v33 =	vmax.f32 v45, v14;
	(erf) = vpow2.f32 v16;
	v16 =	vld [tilespmem:s16+$0x31]  }
0xea: {  	s11 =	sadd.s32 $0xFFFFFFE0, s8;
	v53 =	vmul.f32 $1.442695020e+00, v11;
	v56 =	vadd.f32 $1.000000000e+00, v1;
	v54 =	vld [tilespmem:s24+$0x200];
	v15 =	vsub.f32 v45, v33  }
0xeb: {  	v55 =	vsub.f32 v14, v33;
	(erf) = vpow2.f32 v12;
	v12 =	vor.u32 s11, v0  }
0xec: {  	v11 =	vld [tilespmem:s16+$0x400];
	v28 =	vnsel vm5, $0xF149F2CA, v52;
	v15 =	vmul.f32 $1.442695020e+00, v15;
	v14 =	vcvt.s32.f32 v12  }
0xed: {  	v58 =	vld [tilespmem:s16+$0x200];
	s26 =	simm.s32 $0x60;
	vm4 =	vle.f32 v56, v2;
	(erf) = vpow2.f32 v53;
	v30 =	vmul.f32 $1.442695020e+00, v55  }
0xee: {  	v39 =	vld [tilespmem:s16+$0x0];
	s28 =	sand.u32 $0x60, s26;
	(erf) = vpow2.f32 v15;
	vm6 =	vge.f32 v9, v14;
	v16 =	vnsel vm4, $0xF149F2CA, v16  }
0xef: {  	s30 =	sor.u32 s22, s2;
	s29 =	sor.u32 s28, s5;
	v37 =	vld [tilespmem:s24+$0x0];
	v15 =	vcvt.s32.f32 v57;
	v43 =	vnsel vm6, $0x0, v54;
	v41 =	vmax.f32 v28, v16  }
0xf0: {  	v12 =	vld [tilespmem:s29+$0x400];
	(erf) = vpow2.f32 v30;
	[tilespmem:s30+$0x0] =	vst v43;
	v59 =	vsub.f32 v28, v41  }
0xf1: {  	v30 =	vpop (erf);
	vm7 =	vge.f32 v11, v15;
	v61 =	vld [tilespmem:s16+$0x11]  }
0xf2: {  	s31 =	sor.u32 s13, s2;
	v38 =	vld [tilespmem:s29+$0x200];
	s8 =	sadd.s32 $0xFFFFFFF0, s8;
	v29 =	vpop (erf);
	v45 =	vnsel vm7, $0x0, v58;
	v60 =	vsub.f32 v16, v41;
	v31 =	vmul.f32 $1.442695020e+00, v59  }
0xf3: {  	v51 =	vld [tilespmem:s23+$0x236];
	v44 =	vadd.f32 $1.000000000e+00, v14;
	v16 =	vor.u32 s8, v0;
	v28 =	vpop (erf);
	[tilespmem:s31+$0x0] =	vst v45  }
0xf4: {  	v37 =	vnsel vm6, $0xF149F2CA, v37;
	v16 =	vcvt.s32.f32 v16;
	v36 =	vpop (erf);
	v40 =	vld [tilespmem:s16+$0x1];
	v42 =	vmul.f32 $1.442695020e+00, v60  }
0xf5: {  	v47 =	vadd.f32 $1.000000000e+00, v15;
	vm5 =	vle.f32 v44, v9;
	v32 =	vpop (erf);
	(erf) = vpow2.f32 v31  }
0xf6: {  	v46 =	vld [tilespmem:s29+$0x0];
	vm8 =	vge.f32 v12, v16;
	v63 =	vnsel vm5, $0xF149F2CA, v61;
	v31 =	vpop (erf);
	(erf) = vpow2.f32 v42  }
0xf7: {  	s10 =	sor.u32 s28, s2;
	v38 =	vnsel vm8, $0x0, v38;
	v35 =	vmax.f32 v37, v63;
	v62 =	vpop (erf)  }
0xf8: {  	vm6 =	vle.f32 v47, v11;
	[tilespmem:s10+$0x0] =	vst v38;
	v37 =	vsub.f32 v37, v35;
	v17 =	vmul.f32 v62, v17  }
0xf9: {  	v55 =	vnsel vm0, $0x0, v51;
	v39 =	vnsel vm7, $0xF149F2CA, v39;
	v48 =	vld [tilespmem:s16+$0x21];
	v50 =	vnsel vm6, $0xF149F2CA, v40;
	v49 =	vpop (erf)  }
0xfa: {  	v40 =	vmax.f32 v39, v50;
	v37 =	vmul.f32 $1.442695020e+00, v37;
	v44 =	vadd.f32 v17, v49  }
0xfb: {  	v46 =	vnsel vm8, $0xF149F2CA, v46;
	v39 =	vsub.f32 v39, v40;
	v17 =	vadd.f32 $1.000000000e+00, v16  }
0xfc: {  	v27 =	vmul.f32 v62, v27;
	v50 =	vsub.f32 v50, v40;
	(erf) = vrcp.f32 v44  }
0xfd: {  	v54 =	vmul.f32 $1.442695020e+00, v39;
	vm7 =	vle.f32 v17, v12;
	v17 =	vsub.f32 v63, v35  }
0xfe: {  	v50 =	vmul.f32 $1.442695020e+00, v50;
	v48 =	vnsel vm7, $0xF149F2CA, v48;
	(erf) = vpow2.f32 v37;
	v37 =	vpop (erf)  }
0xff: {  	v39 =	vmax.f32 v46, v48;
	v17 =	vmul.f32 $1.442695020e+00, v17;
	(erf) = vpow2.f32 v54;
	v47 =	vpop (erf)  }
0x100: {  	v52 =	vsub.f32 v46, v39;
	(erf) = vpow2.f32 v50;
	v46 =	vadd.f32 v47, v37  }
0x101: {  	v56 =	vmul.f32 v49, v55;
	(erf) = vpow2.f32 v17;
	v17 =	vsub.f32 v48, v39  }
0x102: {  	v57 =	vld [tilespmem:s16+$0x231];
	v58 =	vmul.f32 $1.442695020e+00, v52;
	(erf) = vrcp.f32 v46  }
0x103: {  	v59 =	vmul.f32 $1.442695020e+00, v17  }
0x104: {  	v17 =	vadd.f32 v56, v27;
	(erf) = vpow2.f32 v58  }
0x105: {  	v60 =	vpop (erf);
	(erf) = vpow2.f32 v59  }
0x106: {  	v27 =	vld [tilespmem:s16+$0x211];
	v42 =	vmul.f32 v60, v17  }
0x107: {  	s6 =	sor.u32 $0x300, s6;
	v13 =	vadd.f32 $7.000000000e+00, v13;
	v62 =	vld [tilespmem:s16+$0x201];
	v48 =	vnsel vm4, $0x0, v57;
	v63 =	vpop (erf)  }
0x108: {  	v61 =	vld [tilespmem:s16+$0x221];
	v34 =	vmul.f32 v37, v34;
	v58 =	vmul.f32 v47, v48;
	v57 =	vpop (erf);
	[tilespmem:s6+$0x600] =	vst v42  }
0x109: {  	vm0 =	vle.f32 v13, v10;
	v54 =	vpop (erf);
	v53 =	vld [tilespmem:s23+$0x37]  }
0x10a: {  	v26 =	vmul.f32 v30, v26;
	v42 =	vadd.f32 v58, v34;
	v55 =	vpop (erf);
	v37 =	vadd.f32 v54, v57  }
0x10b: {  	v27 =	vnsel vm5, $0x0, v27;
	v43 =	vmul.f32 v63, v43;
	v34 =	vadd.f32 v55, v63;
	v10 =	vpop (erf)  }
0x10c: {  	v13 =	vnsel vm6, $0x0, v62;
	(erf) = vrcp.f32 v37;
	v10 =	vmul.f32 v10, v42  }
0x10d: {  	v49 =	vnsel vm7, $0x0, v61;
	v45 =	vmul.f32 v57, v45;
	v59 =	vpop (erf);
	(erf) = vrcp.f32 v34  }
0x10e: {  	v13 =	vmul.f32 v54, v13;
	v60 =	vnsel vm0, $0xF149F2CA, v53;
	[tilespmem:s12+$0x80] =	vst v10;
	v10 =	vmul.f32 v55, v27;
	v27 =	vpop (erf)  }
0x10f: {  	v63 =	vmul.f32 v59, v38;
	v61 =	vmax.f32 v33, v60;
	v62 =	vld [tilespmem:s16+$0x32];
	v38 =	vadd.f32 v27, v59  }
0x110: {  	v24 =	vmul.f32 v29, v24;
	v45 =	vadd.f32 v13, v45;
	v33 =	vsub.f32 v33, v61  }
0x111: {  	v13 =	vadd.f32 $2.000000000e+00, v1;
	v49 =	vmul.f32 v27, v49;
	(erf) = vrcp.f32 v38  }
0x112: {  	v43 =	vadd.f32 v10, v43;
	v10 =	vsub.f32 v60, v61;
	v27 =	vmul.f32 $1.442695020e+00, v33  }
0x113: {  	vm5 =	vle.f32 v13, v2;
	v13 =	vmul.f32 v28, v25;
	v25 =	vadd.f32 v26, v36  }
0x114: {  	v10 =	vmul.f32 $1.442695020e+00, v10;
	v56 =	vnsel vm5, $0xF149F2CA, v62;
	(erf) = vpow2.f32 v27  }
0x115: {  	v27 =	vadd.f32 v24, v32;
	v58 =	vpop (erf);
	v24 =	vadd.f32 v13, v31;
	v33 =	vmax.f32 v41, v56  }
0x116: {  	v57 =	vld [tilespmem:s23+$0x205];
	(erf) = vpow2.f32 v10;
	v13 =	vmul.f32 v58, v45;
	v59 =	vpop (erf);
	v10 =	vsub.f32 v41, v33  }
0x117: {  	(erf) = vrcp.f32 v25;
	v50 =	vsub.f32 v56, v33;
	v41 =	vmul.f32 v59, v43  }
0x118: {  	v26 =	vld [tilespmem:s23+$0x215];
	(erf) = vrcp.f32 v27;
	v10 =	vmul.f32 $1.442695020e+00, v10  }
0x119: {  	v49 =	vadd.f32 v49, v63;
	[tilespmem:s31+$0x80] =	vst v13;
	(erf) = vrcp.f32 v24;
	v13 =	vmul.f32 $1.442695020e+00, v50  }
0x11a: {  	v23 =	vmul.f32 v30, v23;
	v60 =	vld [tilespmem:s23+$0x225];
	(erf) = vpow2.f32 v10;
	v63 =	vpop (erf)  }
0x11b: {  	v62 =	vld [tilespmem:s16+$0x2];
	[tilespmem:s30+$0x80] =	vst v41;
	v10 =	vnsel vm1, $0x0, v57;
	(erf) = vpow2.f32 v13;
	v13 =	vmul.f32 v63, v49  }
0x11c: {  	v29 =	vmul.f32 v29, v22;
	v19 =	vmul.f32 v28, v19;
	v61 =	vadd.f32 $2.000000000e+00, v15;
	v58 =	vld [tilespmem:s16+$0x12]  }
0x11d: {  	v52 =	vadd.f32 $6.000000000e+00, v4;
	v48 =	vadd.f32 $6.000000000e+00, v8;
	v26 =	vnsel vm3, $0x0, v26  }
0x11e: {  	vm7 =	vle.f32 v61, v11;
	v57 =	vadd.f32 $2.000000000e+00, v14;
	v36 =	vmul.f32 v36, v10;
	v10 =	vpop (erf)  }
0x11f: {  	v26 =	vmul.f32 v32, v26;
	v60 =	vnsel vm2, $0x0, v60;
	v59 =	vadd.f32 $2.000000000e+00, v16;
	[tilespmem:s10+$0x80] =	vst v13;
	v13 =	vpop (erf)  }
0x120: {  	vm6 =	vle.f32 v57, v9;
	v22 =	vadd.f32 v36, v23;
	v62 =	vnsel vm7, $0xF149F2CA, v62;
	v30 =	vld [tilespmem:s16+$0x22];
	v63 =	vpop (erf)  }
0x121: {  	v61 =	vmul.f32 v10, v44;
	v23 =	vmax.f32 v40, v62;
	v57 =	vnsel vm6, $0xF149F2CA, v58;
	v50 =	vpop (erf)  }
0x122: {  	v31 =	vmul.f32 v31, v60;
	v40 =	vsub.f32 v40, v23;
	v32 =	vmax.f32 v35, v57;
	v53 =	vpop (erf)  }
0x123: {  	vm4 =	vle.f32 v59, v12;
	v58 =	vadd.f32 v61, v13;
	v35 =	vsub.f32 v35, v32;
	v54 =	vpop (erf)  }
0x124: {  	v59 =	vsub.f32 v62, v23;
	v60 =	vmul.f32 $1.442695020e+00, v40;
	v61 =	vmul.f32 v54, v46  }
0x125: {  	(erf) = vrcp.f32 v58;
	v62 =	vmul.f32 $1.442695020e+00, v35;
	v30 =	vnsel vm4, $0xF149F2CA, v30;
	v51 =	vpop (erf)  }
0x126: {  	(erf) = vpow2.f32 v60;
	v35 =	vmax.f32 v39, v30;
	v36 =	vadd.f32 v61, v51  }
0x127: {  	v63 =	vmul.f32 v63, v22;
	(erf) = vpow2.f32 v62;
	v39 =	vsub.f32 v39, v35  }
0x128: {  	v56 =	vld [tilespmem:s16+$0x232];
	v55 =	vsub.f32 v30, v35;
	v30 =	vadd.f32 v26, v29;
	(erf) = vrcp.f32 v36  }
0x129: {  	s2 =	sor.u32 $0x280, s20;
	v47 =	vadd.f32 $6.000000000e+00, v7;
	v28 =	vsub.f32 v57, v32;
	v39 =	vmul.f32 $1.442695020e+00, v39  }
0x12a: {  	v57 =	vmul.f32 $1.442695020e+00, v59;
	[tilespmem:s2+$0x600] =	vst v63;
	v26 =	vadd.f32 v31, v19;
	v19 =	vmul.f32 v50, v30  }
0x12b: {  	vm8 =	vle.f32 v52, v3;
	v28 =	vmul.f32 $1.442695020e+00, v28;
	v40 =	vld [tilespmem:s23+$0x6];
	(erf) = vpow2.f32 v39  }
0x12c: {  	vm2 =	vle.f32 v47, v5;
	v58 =	vmul.f32 $1.442695020e+00, v55;
	(erf) = vpow2.f32 v57  }
0x12d: {  	s7 =	sor.u32 $0x280, s19;
	v60 =	vld [tilespmem:s16+$0x212];
	v62 =	vnsel vm5, $0x0, v56;
	v42 =	vmul.f32 v54, v42;
	(erf) = vpow2.f32 v28  }
0x12e: {  	vm1 =	vle.f32 v48, v6;
	v59 =	vld [tilespmem:s16+$0x202];
	v31 =	vmul.f32 v51, v62;
	[tilespmem:s7+$0x600] =	vst v19;
	v19 =	vpop (erf);
	(erf) = vpow2.f32 v58  }
0x12f: {  	vm2 =	vmmov vm2;
	vm3 =	vmmov vm1;
	v62 =	vadd.f32 $3.000000000e+00, v1;
	v63 =	vld [tilespmem:s23+$0x16];
	v52 =	vpop (erf)  }
0x130: {  	v61 =	vmul.f32 v53, v26;
	v42 =	vadd.f32 v31, v42;
	v40 =	vnsel vm3, $0xF149F2CA, v40;
	v53 =	vpop (erf)  }
0x131: {  	s8 =	sor.u32 $0x280, s21;
	vm1 =	vmmov vm8;
	vm8 =	vle.f32 v62, v2;
	v28 =	vmax.f32 v21, v40;
	v55 =	vpop (erf)  }
0x132: {  	v56 =	vnsel vm6, $0x0, v60;
	[tilespmem:s8+$0x600] =	vst v61;
	v21 =	vsub.f32 v21, v28;
	v57 =	vmul.f32 v55, v42  }
0x133: {  	v39 =	vnsel vm7, $0x0, v59;
	v54 =	vld [tilespmem:s23+$0x26];
	v40 =	vsub.f32 v40, v28;
	v37 =	vmul.f32 v52, v37  }
0x134: {  	v44 =	vmul.f32 v52, v45;
	v21 =	vmul.f32 $1.442695020e+00, v21;
	v41 =	vnsel vm2, $0xF149F2CA, v63;
	v58 =	vpop (erf);
	[tilespmem:s12+$0x100] =	vst v57  }
0x135: {  	v40 =	vmul.f32 $1.442695020e+00, v40;
	v34 =	vmul.f32 v53, v34;
	v29 =	vmax.f32 v18, v41;
	v59 =	vpop (erf);
	v45 =	vld [tilespmem:s16+$0x33]  }
0x136: {  	(erf) = vpow2.f32 v21;
	v21 =	vmul.f32 v58, v38;
	v38 =	vadd.f32 v37, v59;
	v60 =	vpop (erf)  }
0x137: {  	v18 =	vsub.f32 v18, v29;
	v47 =	vmul.f32 v58, v49;
	v49 =	vadd.f32 v34, v60;
	v61 =	vpop (erf)  }
0x138: {  	v46 =	vnsel vm1, $0xF149F2CA, v54;
	v51 =	vadd.f32 v21, v61;
	(erf) = vrcp.f32 v38  }
0x139: {  	v63 =	vld [tilespmem:s16+$0x222];
	v18 =	vmul.f32 $1.442695020e+00, v18;
	v21 =	vmax.f32 v20, v46;
	(erf) = vrcp.f32 v49  }
0x13a: {  	v20 =	vsub.f32 v20, v21;
	(erf) = vrcp.f32 v51;
	v45 =	vnsel vm8, $0xF149F2CA, v45  }
0x13b: {  	v31 =	vmul.f32 v53, v43;
	v41 =	vsub.f32 v41, v29;
	v34 =	vmax.f32 v33, v45  }
0x13c: {  	v20 =	vmul.f32 $1.442695020e+00, v20;
	(erf) = vpow2.f32 v18;
	v18 =	vsub.f32 v33, v34  }
0x13d: {  	v41 =	vmul.f32 $1.442695020e+00, v41;
	v39 =	vmul.f32 v59, v39  }
0x13e: {  	v52 =	vnsel vm4, $0x0, v63;
	(erf) = vpow2.f32 v20;
	v18 =	vmul.f32 $1.442695020e+00, v18  }
0x13f: {  	v37 =	vmul.f32 v60, v56;
	v20 =	vsub.f32 v45, v34;
	(erf) = vpow2.f32 v40  }
0x140: {  	v39 =	vadd.f32 v39, v44;
	v33 =	vmul.f32 v61, v52;
	v40 =	vpop (erf);
	(erf) = vpow2.f32 v41  }
0x141: {  	v41 =	vadd.f32 v37, v31;
	v20 =	vmul.f32 $1.442695020e+00, v20;
	v53 =	vpop (erf);
	(erf) = vpow2.f32 v18  }
0x142: {  	v43 =	vadd.f32 v33, v47;
	v31 =	vmul.f32 v53, v39;
	v18 =	vpop (erf)  }
0x143: {  	v18 =	vmul.f32 v18, v41;
	v54 =	vpop (erf);
	(erf) = vpow2.f32 v20  }
0x144: {  	[tilespmem:s31+$0x100] =	vst v31;
	v20 =	vmul.f32 v54, v43  }
0x145: {  	v31 =	vld [tilespmem:s16+$0x3];
	[tilespmem:s30+$0x100] =	vst v18  }
0x146: {  	v44 =	vpop (erf);
	v18 =	vld [tilespmem:s16+$0x13];
	[tilespmem:s10+$0x100] =	vst v20  }
0x147: {  	v55 =	vadd.f32 $3.000000000e+00, v14;
	v37 =	vpop (erf);
	v20 =	vadd.f32 $3.000000000e+00, v15;
	v56 =	vld [tilespmem:s16+$0x23]  }
0x148: {  	v57 =	vadd.f32 $3.000000000e+00, v16;
	v46 =	vsub.f32 v46, v21;
	v48 =	vpop (erf)  }
0x149: {  	vm6 =	vle.f32 v55, v9;
	v50 =	vpop (erf);
	vm7 =	vle.f32 v20, v11  }
0x14a: {  	vm5 =	vle.f32 v57, v12;
	v46 =	vmul.f32 $1.442695020e+00, v46;
	v58 =	vnsel vm7, $0xF149F2CA, v31;
	v52 =	vpop (erf)  }
0x14b: {  	v31 =	vmax.f32 v23, v58;
	v60 =	vmul.f32 v52, v36;
	v59 =	vnsel vm6, $0xF149F2CA, v18  }
0x14c: {  	v23 =	vsub.f32 v23, v31;
	v20 =	vmax.f32 v32, v59;
	v61 =	vnsel vm5, $0xF149F2CA, v56;
	v62 =	vpop (erf)  }
0x14d: {  	v32 =	vsub.f32 v32, v20;
	v18 =	vmax.f32 v35, v61;
	v33 =	vadd.f32 v60, v62  }
0x14e: {  	(erf) = vpow2.f32 v46;
	v23 =	vmul.f32 $1.442695020e+00, v23;
	v35 =	vsub.f32 v35, v18  }
0x14f: {  	v63 =	vsub.f32 v58, v31;
	v56 =	vld [tilespmem:s16+$0x233];
	v32 =	vmul.f32 $1.442695020e+00, v32;
	(erf) = vrcp.f32 v33  }
0x150: {  	v35 =	vmul.f32 $1.442695020e+00, v35;
	(erf) = vpow2.f32 v23  }
0x151: {  	v53 =	vsub.f32 v59, v20;
	v57 =	vmul.f32 $1.442695020e+00, v63;
	(erf) = vpow2.f32 v32  }
0x152: {  	v27 =	vmul.f32 v44, v27;
	v23 =	vsub.f32 v61, v18;
	(erf) = vpow2.f32 v35  }
0x153: {  	v58 =	vmul.f32 $1.442695020e+00, v53;
	(erf) = vpow2.f32 v57  }
0x154: {  	v61 =	vmul.f32 v52, v42;
	v60 =	vnsel vm8, $0x0, v56;
	v23 =	vmul.f32 $1.442695020e+00, v23  }
0x155: {  	v4 =	vadd.f32 $7.000000000e+00, v4;
	v36 =	vmul.f32 v62, v60;
	(erf) = vpow2.f32 v58  }
0x156: {  	v25 =	vmul.f32 v40, v25;
	v59 =	vld [tilespmem:s23+$0x206];
	(erf) = vpow2.f32 v23;
	v23 =	vadd.f32 $7.000000000e+00, v8  }
0x157: {  	v7 =	vadd.f32 $7.000000000e+00, v7;
	v45 =	vpop (erf);
	v8 =	vadd.f32 v36, v61  }
0x158: {  	v22 =	vmul.f32 v40, v22;
	v25 =	vadd.f32 v25, v48;
	vm8 =	vle.f32 v23, v6;
	v6 =	vpop (erf)  }
0x159: {  	v30 =	vmul.f32 v44, v30;
	v62 =	vld [tilespmem:s23+$0x216];
	v23 =	vadd.f32 v27, v50;
	v6 =	vmul.f32 v6, v8;
	v27 =	vpop (erf)  }
0x15a: {  	vm9 =	vle.f32 v7, v5;
	v5 =	vmul.f32 v37, v24;
	(erf) = vrcp.f32 v25;
	v56 =	vpop (erf)  }
0x15b: {  	v63 =	vnsel vm3, $0x0, v59;
	(erf) = vrcp.f32 v23;
	[tilespmem:s12+$0x180] =	vst v6;
	v6 =	vmul.f32 v27, v38;
	v38 =	vpop (erf)  }
0x15c: {  	v26 =	vmul.f32 v37, v26;
	v7 =	vadd.f32 v5, v45;
	v57 =	vld [tilespmem:s16+$0x203];
	v32 =	vmul.f32 v48, v63;
	v59 =	vpop (erf)  }
0x15d: {  	v61 =	vadd.f32 $4.000000000e+00, v1;
	v5 =	vmul.f32 v56, v49;
	v58 =	vld [tilespmem:s16+$0x34];
	v36 =	vadd.f32 v6, v59  }
0x15e: {  	v24 =	vnsel vm2, $0x0, v62;
	(erf) = vrcp.f32 v7;
	v60 =	vmul.f32 v38, v51;
	v47 =	vpop (erf)  }
0x15f: {  	vm4 =	vle.f32 v61, v2;
	v5 =	vadd.f32 v5, v47;
	v51 =	vpop (erf);
	(erf) = vrcp.f32 v36  }
0x160: {  	v62 =	vld [tilespmem:s16+$0x213];
	vm2 =	vmmov vm9;
	v53 =	vmul.f32 v50, v24;
	v6 =	vadd.f32 v60, v51  }
0x161: {  	v63 =	vld [tilespmem:s16+$0x223];
	v42 =	vnsel vm7, $0x0, v57;
	v24 =	vadd.f32 v32, v22;
	(erf) = vrcp.f32 v5  }
0x162: {  	v22 =	vadd.f32 v53, v30;
	v40 =	vnsel vm4, $0xF149F2CA, v58;
	(erf) = vrcp.f32 v6  }
0x163: {  	v27 =	vmul.f32 v27, v39;
	v54 =	vmul.f32 v56, v41;
	v55 =	vpop (erf);
	v30 =	vmax.f32 v34, v40  }
0x164: {  	v38 =	vmul.f32 v38, v43;
	v58 =	vpop (erf);
	v35 =	vmul.f32 v55, v24;
	v34 =	vsub.f32 v34, v30  }
0x165: {  	s1 =	sor.u32 $0x300, s1;
	v56 =	vnsel vm6, $0x0, v62;
	v57 =	vmul.f32 v59, v42;
	v60 =	vld [tilespmem:s23+$0x226];
	v42 =	vmul.f32 v58, v22  }
0x166: {  	s11 =	sor.u32 $0x300, s4;
	v44 =	vnsel vm5, $0x0, v63;
	v61 =	vmul.f32 v47, v56;
	[tilespmem:s1+$0x600] =	vst v35;
	v59 =	vmul.f32 $1.442695020e+00, v34  }
0x167: {  	v62 =	vsub.f32 v40, v30;
	v40 =	vpop (erf);
	v34 =	vadd.f32 v57, v27;
	v27 =	vmul.f32 v51, v44;
	v63 =	vld [tilespmem:s23+$0x7];
	[tilespmem:s11+$0x600] =	vst v42  }
0x168: {  	vm3 =	vmmov vm8;
	v35 =	vadd.f32 v61, v54;
	v42 =	vld [tilespmem:s23+$0x17];
	(erf) = vpow2.f32 v59;
	v49 =	vpop (erf)  }
0x169: {  	v39 =	vmul.f32 $1.442695020e+00, v62;
	v32 =	vadd.f32 v27, v38;
	v27 =	vmul.f32 v49, v34  }
0x16a: {  	vm5 =	vle.f32 v4, v3;
	v53 =	vadd.f32 $4.000000000e+00, v14;
	v54 =	vnsel vm1, $0x0, v60;
	v50 =	vpop (erf)  }
0x16b: {  	v51 =	vadd.f32 $4.000000000e+00, v15;
	(erf) = vpow2.f32 v39;
	v38 =	vmul.f32 v50, v35;
	v52 =	vpop (erf);
	[tilespmem:s31+$0x180] =	vst v27  }
0x16c: {  	v55 =	vmul.f32 v45, v54;
	v39 =	vnsel vm3, $0xF149F2CA, v63;
	v27 =	vmul.f32 v52, v32;
	v56 =	vld [tilespmem:s16+$0x4]  }
0x16d: {  	v4 =	vld [tilespmem:s16+$0x234];
	v57 =	vadd.f32 $4.000000000e+00, v16;
	v58 =	vmax.f32 v28, v39;
	v42 =	vnsel vm2, $0xF149F2CA, v42;
	[tilespmem:s30+$0x180] =	vst v38  }
0x16e: {  	v26 =	vadd.f32 v55, v26;
	v60 =	vmax.f32 v29, v42;
	v59 =	vld [tilespmem:s16+$0x14];
	[tilespmem:s10+$0x180] =	vst v27;
	v27 =	vsub.f32 v28, v58  }
0x16f: {  	vm7 =	vle.f32 v53, v9;
	vm6 =	vle.f32 v51, v11;
	v62 =	vsub.f32 v29, v60;
	v61 =	vld [tilespmem:s16+$0x24]  }
0x170: {  	vm1 =	vle.f32 v57, v12;
	v63 =	vmul.f32 v40, v26;
	v27 =	vmul.f32 $1.442695020e+00, v27  }
0x171: {  	v57 =	vsub.f32 v39, v58;
	v49 =	vmul.f32 $1.442695020e+00, v62;
	v48 =	vpop (erf);
	v41 =	vnsel vm6, $0xF149F2CA, v56  }
0x172: {  	v50 =	vmul.f32 v48, v33;
	(erf) = vpow2.f32 v27;
	v27 =	vmax.f32 v31, v41  }
0x173: {  	v51 =	vnsel vm7, $0xF149F2CA, v59;
	(erf) = vpow2.f32 v49;
	v59 =	vnsel vm4, $0x0, v4  }
0x174: {  	v52 =	vpop (erf);
	v53 =	vsub.f32 v31, v27;
	v28 =	vmax.f32 v20, v51;
	v47 =	vnsel vm1, $0xF149F2CA, v61  }
0x175: {  	s0 =	sor.u32 $0x300, s0;
	v31 =	vadd.f32 v50, v52;
	v20 =	vsub.f32 v20, v28;
	v29 =	vmax.f32 v18, v47  }
0x176: {  	[tilespmem:s0+$0x600] =	vst v63;
	v39 =	vmul.f32 v52, v59;
	v54 =	vmul.f32 $1.442695020e+00, v53;
	v18 =	vsub.f32 v18, v29  }
0x177: {  	v55 =	vld [tilespmem:s23+$0x27];
	v41 =	vsub.f32 v41, v27;
	(erf) = vrcp.f32 v31;
	v20 =	vmul.f32 $1.442695020e+00, v20  }
0x178: {  	v33 =	vsub.f32 v51, v28;
	(erf) = vpow2.f32 v54;
	v18 =	vmul.f32 $1.442695020e+00, v18  }
0x179: {  	v56 =	vmul.f32 $1.442695020e+00, v41;
	(erf) = vpow2.f32 v20  }
0x17a: {  	v52 =	vld [tilespmem:s23+$0x207];
	v3 =	vmul.f32 $1.442695020e+00, v33;
	(erf) = vpow2.f32 v18  }
0x17b: {  	v10 =	vmul.f32 v10, v17;
	vm5 =	vmmov vm5;
	(erf) = vpow2.f32 v56  }
0x17c: {  	v58 =	vsub.f32 v47, v29;
	v18 =	vnsel vm5, $0xF149F2CA, v55;
	(erf) = vpow2.f32 v3  }
0x17d: {  	v37 =	vsub.f32 v42, v60;
	v8 =	vmul.f32 v48, v8;
	v20 =	vmax.f32 v21, v18  }
0x17e: {  	v33 =	vmul.f32 $1.442695020e+00, v57;
	v38 =	vmul.f32 $1.442695020e+00, v58;
	v21 =	vsub.f32 v21, v20;
	v3 =	vpop (erf)  }
0x17f: {  	v57 =	vld [tilespmem:s23+$0x217];
	v54 =	vadd.f32 $5.000000000e+00, v14;
	v58 =	vadd.f32 $6.000000000e+00, v14;
	v44 =	vnsel vm3, $0x0, v52;
	v4 =	vpop (erf)  }
0x180: {  	v55 =	vadd.f32 $5.000000000e+00, v16;
	v18 =	vsub.f32 v18, v20;
	v21 =	vmul.f32 $1.442695020e+00, v21;
	v60 =	vpop (erf)  }
0x181: {  	s22 =	simm.s32 $0x4;
	v61 =	vld [tilespmem:s23+$0x237];
	vm3 =	vle.f32 v54, v9;
	v20 =	vmul.f32 $1.442695020e+00, v37;
	(erf) = vpow2.f32 v38;
	v40 =	vpop (erf)  }
0x182: {  	s12 =	sand.u32 $0x7, s22;
	v56 =	vadd.f32 $6.000000000e+00, v15;
	v62 =	vmul.f32 $1.442695020e+00, v18;
	(erf) = vpow2.f32 v21;
	v37 =	vpop (erf)  }
0x183: {  	s0 =	sshll.u32 s12, $0x4;
	(erf) = vpow2.f32 v33;
	v33 =	vadd.f32 v39, v8;
	v21 =	vmul.f32 v40, v36;
	v36 =	vpop (erf)  }
0x184: {  	s0 =	sadd.s32 $0x200, s0;
	v54 =	vnsel vm2, $0x0, v57;
	(erf) = vpow2.f32 v20;
	v5 =	vmul.f32 v37, v5;
	v63 =	vpop (erf)  }
0x185: {  	s10 =	sadd.s32 $0x30, s0;
	v53 =	vld [tilespmem:s16+$0x214];
	v41 =	vmul.f32 v60, v33;
	v18 =	vadd.f32 v21, v63;
	v8 =	vpop (erf);
	v21 =	vadd.f32 $5.000000000e+00, v15  }
0x186: {  	s13 =	sor.u32 $0x200, s10;
	v38 =	vnsel vm0, $0x0, v61;
	v20 =	vld [tilespmem:s16+$0x204];
	(erf) = vpow2.f32 v62;
	v5 =	vadd.f32 v5, v8  }
0x187: {  	v13 =	vmul.f32 v13, v38;
	[tilespmem:s13+$0x600] =	vst v41;
	(erf) = vrcp.f32 v18;
	vm0 =	vle.f32 v21, v11;
	v21 =	vld [tilespmem:s16+$0x224]  }
0x188: {  	vm4 =	vle.f32 v56, v11;
	v61 =	vadd.f32 $5.000000000e+00, v1;
	v59 =	vld [tilespmem:s16+$0x35];
	(erf) = vrcp.f32 v5  }
0x189: {  	v10 =	vadd.f32 v13, v10;
	v13 =	vmul.f32 v3, v25;
	v6 =	vmul.f32 v36, v6  }
0x18a: {  	v39 =	vnsel vm7, $0x0, v53;
	vm7 =	vle.f32 v61, v2;
	v34 =	vmul.f32 v40, v34;
	v47 =	vpop (erf)  }
0x18b: {  	v39 =	vmul.f32 v8, v39;
	v20 =	vnsel vm6, $0x0, v20;
	v8 =	vadd.f32 v6, v47  }
0x18c: {  	v20 =	vmul.f32 v63, v20;
	v42 =	vpop (erf);
	v63 =	vnsel vm1, $0x0, v21;
	v21 =	vmul.f32 v37, v35  }
0x18d: {  	v19 =	vmul.f32 v19, v10;
	vm6 =	vle.f32 v55, v12;
	v62 =	vpop (erf);
	v55 =	vnsel vm7, $0xF149F2CA, v59  }
0x18e: {  	p0 =	por !p0, !p0;
	s1 =	simm.s32 $0x1;
	(erf) = vrcp.f32 v8;
	v51 =	vpop (erf);
	v6 =	vadd.f32 v39, v21;
	v21 =	vmax.f32 v30, v55  }
0x18f: {  	s1 =	simm.s32 @!p0 $0x0;
	v10 =	vmul.f32 v4, v23;
	v20 =	vadd.f32 v20, v34;
	v53 =	vpop (erf);
	v30 =	vsub.f32 v30, v21  }
0x190: {  	s1 =	sshll.u32 s1, $0x6;
	v60 =	vadd.f32 $6.000000000e+00, v16;
	v32 =	vmul.f32 v36, v32;
	vm1 =	vle.f32 v58, v9;
	v56 =	vpop (erf)  }
0x191: {  	s1 =	sadd.s32 $0x200, s1;
	v58 =	vsub.f32 v55, v21;
	v57 =	vmul.f32 v56, v20;
	v17 =	vpop (erf);
	v30 =	vmul.f32 $1.442695020e+00, v30  }
0x192: {  	s24 =	sor.u32 $0x200, s1;
	s0 =	sadd.s32 $0x10, s0;
	vm2 =	vle.f32 v60, v12;
	v13 =	vadd.f32 v13, v62;
	v17 =	vmul.f32 v17, v6  }
0x193: {  	s25 =	sor.u32 $0x200, s0;
	v52 =	vld [tilespmem:s23+$0x227];
	v60 =	vadd.f32 $7.000000000e+00, v14;
	v38 =	vmul.f32 $1.442695020e+00, v58;
	[tilespmem:s24+$0x600] =	vst v57;
	(erf) = vpow2.f32 v30  }
0x194: {  	v10 =	vadd.f32 v10, v51;
	v14 =	vmul.f32 v47, v63;
	[tilespmem:s25+$0x600] =	vst v17;
	v17 =	vld [tilespmem:s16+$0x235];
	(erf) = vrcp.f32 v13  }
0x195: {  	s26 =	simm.s32 $0x2;
	vm9 =	vmmov vm4;
	v3 =	vmul.f32 v3, v24;
	v25 =	vld [tilespmem:s16+$0x5];
	(erf) = vpow2.f32 v38  }
0x196: {  	s4 =	sand.u32 $0x3, s26;
	v4 =	vmul.f32 v4, v22;
	v59 =	vld [tilespmem:s16+$0x205];
	(erf) = vrcp.f32 v10;
	v10 =	vadd.f32 v14, v32  }
0x197: {  	s4 =	sshll.u32 s4, $0x5;
	v15 =	vadd.f32 $7.000000000e+00, v15;
	vm10 =	vmmov vm2;
	vm8 =	vle.f32 v60, v9;
	v9 =	vpop (erf);
	v23 =	vld [tilespmem:s16+$0x15]  }
0x198: {  	s4 =	sadd.s32 $0x200, s4;
	vm2 =	vmmov vm8;
	v7 =	vmul.f32 v42, v7;
	v13 =	vld [tilespmem:s16+$0x215];
	v9 =	vmul.f32 v9, v10  }
0x199: {  	s4 =	sadd.s32 $0x20, s4;
	v17 =	vnsel vm7, $0x0, v17;
	vm7 =	vle.f32 v15, v11;
	v11 =	vadd.f32 $7.000000000e+00, v16  }
0x19a: {  	s28 =	sor.u32 $0x200, s4;
	v37 =	vnsel vm5, $0x0, v52;
	vm5 =	vmmov vm1;
	v15 =	vnsel vm0, $0xF149F2CA, v25  }
0x19b: {  	v14 =	vnsel vm0, $0x0, v59;
	[tilespmem:s28+$0x600] =	vst v9;
	vm0 =	vle.f32 v11, v12;
	v11 =	vmul.f32 v62, v44  }
0x19c: {  	v7 =	vadd.f32 v7, v53;
	v16 =	vnsel vm3, $0xF149F2CA, v23;
	v9 =	vmul.f32 v51, v54;
	v12 =	vld [tilespmem:s16+$0x25]  }
0x19d: {  	v13 =	vnsel vm3, $0x0, v13;
	vm3 =	vmmov vm7;
	v23 =	vpop (erf);
	v3 =	vadd.f32 v11, v3  }
0x19e: {  	v4 =	vadd.f32 v9, v4;
	(erf) = vrcp.f32 v7;
	v22 =	vpop (erf);
	v7 =	vmul.f32 v23, v31  }
0x19f: {  	v9 =	vmul.f32 v53, v37;
	vm1 =	vmmov vm0;
	v11 =	vmul.f32 v42, v26;
	v24 =	vpop (erf)  }
0x1a0: {  	v25 =	vmul.f32 v22, v3;
	v22 =	vadd.f32 v7, v24;
	v7 =	vmax.f32 v27, v15  }
0x1a1: {  	v23 =	vmul.f32 v23, v33;
	v27 =	vsub.f32 v27, v7;
	v61 =	vnsel vm6, $0xF149F2CA, v12;
	v3 =	vpop (erf)  }
0x1a2: {  	v12 =	vsub.f32 v15, v7;
	v26 =	vmul.f32 v3, v4;
	v4 =	vmax.f32 v28, v16  }
0x1a3: {  	(erf) = vrcp.f32 v22;
	v3 =	vmax.f32 v29, v61;
	v15 =	vsub.f32 v28, v4  }
0x1a4: {  	s29 =	sor.u32 $0x380, s15;
	v24 =	vmul.f32 v24, v17;
	v27 =	vmul.f32 $1.442695020e+00, v27;
	v62 =	vsub.f32 v29, v3  }
0x1a5: {  	p0 =	por !p0, !p0;
	s31 =	sor.u32 $0x380, s19;
	s30 =	sor.u32 $0x380, s20;
	[tilespmem:s29+$0x600] =	vst v19;
	v12 =	vmul.f32 $1.442695020e+00, v12;
	v16 =	vsub.f32 v16, v4;
	v63 =	vmul.f32 $1.442695020e+00, v15  }
0x1a6: {  	s19 =	sor.u32 $0x380, s21;
	s20 =	sor.u32 $0x300, s4;
	s21 =	sor.u32 $0x300, s0;
	v9 =	vadd.f32 v9, v11;
	[tilespmem:s30+$0x600] =	vst v25;
	(erf) = vpow2.f32 v27;
	v15 =	vmul.f32 $1.442695020e+00, v62  }
0x1a7: {  	s23 =	sor.u32 $0x300, s1;
	s24 =	simm.s32 $0x4;
	s25 =	simm.s32 $0x4;
	v17 =	vld [tilespmem:s16+$0x225];
	v19 =	vsub.f32 v61, v3;
	[tilespmem:s31+$0x600] =	vst v26;
	v11 =	vpop (erf);
	v16 =	vmul.f32 $1.442695020e+00, v16;
	(erf) = vpow2.f32 v63  }
.LBB2_2:
0x1a8: {  	v25 =	vimm.s32 $0x0;
	s0 =	sand.u32 $0x3, s25  }
0x1a9: {  	s1 =	simm.s32 $0x1;
	s17 =	sadd.s32 $0x40, s17;
	s7 =	rddreg [dreg:$0x3];
	v25 =	vsel vm3, $0xFFFFFFFF, v25  }
0x1aa: {  	v9 =	vmul.f32 v11, v9;
	s1 =	simm.s32 @!p0 $0x0;
	s5 =	sshll.u32 s0, $0x5;
	s0 =	sadd.s32 $0xFFFFFFD0, s17;
	[tilespmem:$0x1FF90] =	vst v25;
	v25 =	vimm.s32 $0x0  }
0x1ab: {  	v30 =	vadd.f32 v24, v23;
	(erf) = vpow2.f32 v15;
	s9 =	sadd.s32 $0xFFFFFFE0, s17;
	s12 =	sadd.s32 $0xFFFFFFF0, s17;
	s30 =	sadd.s32 s3, s0;
	v25 =	vsel vm1, $0xFFFFFFFF, v25  }
0x1ac: {  	s6 =	sshll.u32 s1, $0x6;
	(erf) = vpow2.f32 v12;
	s9 =	sand.u32 $0x50, s9;
	s1 =	sand.u32 $0x180, s30;
	[tilespmem:$0x1FFB0] =	vst v25;
	v25 =	vimm.s32 $0x0;
	v12 =	vpop (erf)  }
0x1ad: {  	s15 =	sadd.s32 $0x240, s15;
	[tilespmem:s19+$0x600] =	vst v9;
	s12 =	sand.u32 $0x60, s12;
	s28 =	sor.u32 s9, s1;
	v25 =	vsel vm2, $0xFFFFFFFF, v25;
	v11 =	vmul.f32 v12, v30  }
0x1ae: {  	s4 =	sor.u32 $0x280, s15;
	s7 =	sadd.s32 s17, s7;
	s13 =	sor.u32 s12, s1;
	v28 =	vld [tilespmem:s28+$0x200];
	[tilespmem:$0x1FFA0] =	vst v25  }
0x1af: {  	s8 =	sand.u32 $0x70, s17;
	s26 =	sadd.s32 $0xFFFFFFD0, s7;
	v35 =	vld [tilespmem:s13+$0x200];
	v25 =	vmul.f32 $1.442695020e+00, v19;
	[tilespmem:s4+$0x600] =	vst v11  }
0x1b0: {  	v34 =	vor.u32 s26, v0;
	(erf) = vpow2.f32 v16;
	s4 =	sor.u32 s8, s1;
	v12 =	vld [tilespmem:s16+$0x36]  }
0x1b1: {  	v19 =	vnsel vm6, $0x0, v17;
	v17 =	vor.u32 s7, v0;
	(erf) = vpow2.f32 v25;
	v25 =	vld [tilespmem:s4+$0x400]  }
0x1b2: {  	v16 =	vadd.f32 $6.000000000e+00, v1;
	v9 =	vpop (erf);
	v32 =	vcvt.s32.f32 v17;
	v17 =	vcvt.s32.f32 v34;
	v15 =	vld [tilespmem:s4+$0x200]  }
0x1b3: {  	s30 =	sadd.s32 $0xFFFFFFF0, s7;
	v24 =	vmul.f32 v9, v18;
	v18 =	vmul.f32 v9, v20;
	v9 =	vld [tilespmem:s28+$0x400]  }
0x1b4: {  	s18 =	sadd.s32 $0x200, s18;
	s29 =	sadd.s32 $0xFFFFFFE0, s7;
	v29 =	vor.u32 s30, v0;
	vm2 =	vle.f32 v16, v2;
	v38 =	vadd.f32 $1.000000000e+00, v17;
	v59 =	vld [tilespmem:s4+$0x0]  }
0x1b5: {  	s31 =	sand.u32 $0x400, s18;
	s5 =	sadd.s32 s18, s5;
	v37 =	vld [tilespmem:s28+$0x0];
	v23 =	vpop (erf);
	v16 =	vor.u32 s29, v0;
	v40 =	vadd.f32 $2.000000000e+00, v17;
	v43 =	vadd.f32 $1.000000000e+00, v32  }
0x1b6: {  	s0 =	sand.u32 $0x40, s0;
	s30 =	sadd.s32 $0x20, s5;
	s7 =	sadd.s32 $0x600, s31;
	v11 =	vld [tilespmem:s13+$0x400];
	v5 =	vmul.f32 v23, v5;
	v33 =	vnsel vm2, $0xF149F2CA, v12;
	vm0 =	vge.f32 v25, v32  }
0x1b7: {  	v63 =	vld [tilespmem:s13+$0x0];
	s31 =	sor.u32 s9, s7;
	s5 =	sor.u32 s8, s7;
	s9 =	sor.u32 s0, s1;
	v12 =	vcvt.s32.f32 v16;
	v31 =	vmax.f32 v21, v33;
	v34 =	vnsel vm0, $0x0, v15  }
0x1b8: {  	v42 =	vld [tilespmem:s9+$0x200];
	vm3 =	vle.f32 v43, v25;
	v15 =	vcvt.s32.f32 v29;
	v16 =	vsub.f32 v21, v31;
	[tilespmem:s5+$0x0] =	vst v34  }
0x1b9: {  	v53 =	vnsel vm0, $0xF149F2CA, v59;
	vm1 =	vge.f32 v9, v12;
	v33 =	vsub.f32 v33, v31;
	v41 =	vld [tilespmem:s9+$0x31]  }
0x1ba: {  	v20 =	vpop (erf);
	v60 =	vadd.f32 $1.000000000e+00, v12;
	v36 =	vnsel vm1, $0x0, v28;
	v39 =	vmul.f32 $1.442695020e+00, v16;
	v16 =	vld [tilespmem:s9+$0x400]  }
0x1bb: {  	v44 =	vld [tilespmem:s9+$0x0];
	v27 =	vpop (erf);
	v45 =	vadd.f32 $2.000000000e+00, v12;
	vm7 =	vge.f32 v11, v15;
	v61 =	vadd.f32 $1.000000000e+00, v15;
	[tilespmem:s31+$0x0] =	vst v36  }
0x1bc: {  	v26 =	vpop (erf);
	v62 =	vnsel vm1, $0xF149F2CA, v37;
	v47 =	vadd.f32 $2.000000000e+00, v15;
	v33 =	vmul.f32 $1.442695020e+00, v33;
	v52 =	vld [tilespmem:s9+$0x11]  }
0x1bd: {  	v21 =	vpop (erf);
	vm6 =	vle.f32 v60, v9;
	v37 =	vnsel vm7, $0xF149F2CA, v63;
	v56 =	vld [tilespmem:s9+$0x211];
	(erf) = vpow2.f32 v39  }
0x1be: {  	s1 =	sor.u32 s0, s7;
	s0 =	sor.u32 s12, s7;
	vm1 =	vle.f32 v61, v11;
	v39 =	vnsel vm7, $0x0, v35;
	(erf) = vpow2.f32 v33  }
0x1bf: {  	[tilespmem:s0+$0x0] =	vst v39;
	v54 =	vnsel vm3, $0xF149F2CA, v41;
	vm0 =	vge.f32 v16, v17;
	vm4 =	vle.f32 v38, v16  }
0x1c0: {  	v55 =	vld [tilespmem:s9+$0x21];
	v38 =	vmax.f32 v53, v54;
	vm15 =	vle.f32 v40, v16;
	v42 =	vnsel vm0, $0x0, v42  }
0x1c1: {  	v28 =	vsub.f32 v53, v38;
	v44 =	vnsel vm0, $0xF149F2CA, v44;
	v29 =	vsub.f32 v54, v38  }
0x1c2: {  	v33 =	vnsel vm6, $0xF149F2CA, v52;
	v43 =	vnsel vm6, $0x0, v56;
	v56 =	vadd.f32 $3.000000000e+00, v12;
	[tilespmem:s1+$0x0] =	vst v42  }
0x1c3: {  	vm0 =	vle.f32 v45, v9;
	v48 =	vld [tilespmem:s9+$0x1];
	v28 =	vmul.f32 $1.442695020e+00, v28;
	v57 =	vmul.f32 $1.442695020e+00, v29  }
0x1c4: {  	v29 =	vmax.f32 v62, v33;
	vm13 =	vle.f32 v56, v9;
	v56 =	vimm.s32 $0x0  }
0x1c5: {  	v41 =	vnsel vm1, $0xF149F2CA, v55;
	v35 =	vsub.f32 v62, v29;
	(erf) = vpow2.f32 v28  }
0x1c6: {  	v50 =	vsub.f32 v33, v29;
	v28 =	vmax.f32 v37, v41;
	v45 =	vpop (erf);
	(erf) = vpow2.f32 v57  }
0x1c7: {  	v55 =	vadd.f32 $5.000000000e+00, v12;
	v37 =	vsub.f32 v37, v28;
	v22 =	vmul.f32 v45, v22  }
0x1c8: {  	v58 =	vsub.f32 v41, v28;
	v50 =	vmul.f32 $1.442695020e+00, v50;
	v51 =	vpop (erf);
	v48 =	vnsel vm4, $0xF149F2CA, v48  }
0x1c9: {  	v46 =	vld [tilespmem:s9+$0x221];
	v57 =	vadd.f32 $3.000000000e+00, v15;
	v40 =	vadd.f32 v22, v51;
	v33 =	vmax.f32 v44, v48  }
0x1ca: {  	v61 =	vld [tilespmem:s16+$0x236];
	v30 =	vmul.f32 v45, v30;
	v52 =	vmul.f32 $1.442695020e+00, v37;
	v59 =	vsub.f32 v44, v33  }
0x1cb: {  	v22 =	vmul.f32 $1.442695020e+00, v35;
	v60 =	vsub.f32 v48, v33;
	(erf) = vrcp.f32 v40  }
0x1cc: {  	v63 =	vmul.f32 $1.442695020e+00, v58;
	vm12 =	vle.f32 v57, v11;
	v62 =	vmul.f32 $1.442695020e+00, v59  }
0x1cd: {  	v57 =	vadd.f32 $5.000000000e+00, v15;
	v54 =	vmul.f32 $1.442695020e+00, v60;
	(erf) = vpow2.f32 v22  }
0x1ce: {  	v44 =	vnsel vm1, $0x0, v46;
	vm1 =	vle.f32 v47, v11;
	(erf) = vpow2.f32 v62;
	v53 =	vpop (erf)  }
0x1cf: {  	v48 =	vnsel vm2, $0x0, v61;
	v22 =	vadd.f32 $3.000000000e+00, v17;
	(erf) = vpow2.f32 v54;
	v41 =	vpop (erf)  }
0x1d0: {  	v58 =	vmul.f32 v51, v48;
	v59 =	vadd.f32 $4.000000000e+00, v17;
	v35 =	vadd.f32 v41, v53  }
0x1d1: {  	v60 =	vadd.f32 $4.000000000e+00, v12;
	vm14 =	vle.f32 v22, v16;
	v22 =	vld [tilespmem:s9+$0x231];
	(erf) = vpow2.f32 v50  }
0x1d2: {  	v37 =	vadd.f32 v58, v30;
	v62 =	vadd.f32 $4.000000000e+00, v15;
	(erf) = vrcp.f32 v35  }
0x1d3: {  	v30 =	vadd.f32 $5.000000000e+00, v17;
	v58 =	vimm.s32 $0x0;
	vm11 =	vle.f32 v59, v16  }
0x1d4: {  	vm6 =	vle.f32 v60, v9;
	vm2 =	vle.f32 v62, v11;
	(erf) = vpow2.f32 v52;
	v61 =	vpop (erf)  }
0x1d5: {  	v62 =	vimm.s32 $0x0;
	(erf) = vpow2.f32 v63;
	v63 =	vmul.f32 v61, v37  }
0x1d6: {  	s13 =	sor.u32 $0x300, s10;
	v49 =	vld [tilespmem:s9+$0x201];
	v47 =	vsel vm2, $0xFFFFFFFF, v56;
	vm2 =	vle.f32 v30, v16;
	v22 =	vnsel vm3, $0x0, v22;
	v48 =	vpop (erf)  }
0x1d7: {  	v59 =	vsel vm2, $0xFFFFFFFF, v58;
	vm2 =	vle.f32 v55, v9;
	v54 =	vmul.f32 v41, v22;
	[tilespmem:s13+$0x600] =	vst v63;
	v60 =	vpop (erf)  }
0x1d8: {  	v46 =	vmul.f32 v48, v36;
	v36 =	vsel vm2, $0xFFFFFFFF, v62;
	v63 =	vmul.f32 v53, v34;
	v61 =	vld [tilespmem:s16+$0x37];
	v55 =	vpop (erf)  }
0x1d9: {  	vm2 =	vle.f32 v57, v11;
	v57 =	vimm.s32 $0x0;
	v34 =	vadd.f32 v55, v60  }
0x1da: {  	v56 =	vadd.f32 $7.000000000e+00, v1;
	[tilespmem:$0x1FFF0] =	vst v36;
	v30 =	vsel vm2, $0xFFFFFFFF, v57;
	v36 =	vadd.f32 v54, v63;
	v22 =	vpop (erf)  }
0x1db: {  	v49 =	vnsel vm4, $0x0, v49;
	[tilespmem:$0x1FFD0] =	vst v30;
	v30 =	vadd.f32 v22, v48;
	(erf) = vrcp.f32 v34;
	v58 =	vpop (erf)  }
0x1dc: {  	[tilespmem:$0x1FFE0] =	vst v59;
	vm4 =	vle.f32 v56, v2;
	v59 =	vmul.f32 v22, v43;
	v22 =	vmul.f32 v58, v36  }
0x1dd: {  	v42 =	vmul.f32 v60, v42;
	v60 =	vpop (erf);
	(erf) = vrcp.f32 v30;
	v61 =	vnsel vm4, $0xF149F2CA, v61  }
0x1de: {  	v6 =	vmul.f32 v23, v6;
	v41 =	vmul.f32 v55, v49;
	v63 =	vpop (erf);
	v49 =	vmax.f32 v31, v61;
	[tilespmem:s5+$0x80] =	vst v22  }
0x1df: {  	v8 =	vmul.f32 v20, v8;
	v1 =	vmovc v32;
	v32 =	vadd.f32 v63, v60;
	v22 =	vsub.f32 v31, v49;
	v50 =	vld [tilespmem:s9+$0x32]  }
0x1e0: {  	v24 =	vadd.f32 v24, v27;
	v14 =	vmul.f32 v27, v14;
	v51 =	vadd.f32 $2.000000000e+00, v1  }
0x1e1: {  	v2 =	vmovc v25;
	v25 =	vsub.f32 v61, v49;
	(erf) = vrcp.f32 v32;
	v22 =	vmul.f32 $1.442695020e+00, v22  }
0x1e2: {  	v8 =	vadd.f32 v8, v21;
	vm3 =	vle.f32 v51, v2;
	v62 =	vmul.f32 v60, v39  }
0x1e3: {  	v41 =	vadd.f32 v41, v42;
	v25 =	vmul.f32 $1.442695020e+00, v25;
	(erf) = vpow2.f32 v22  }
0x1e4: {  	v39 =	vadd.f32 v59, v46;
	v22 =	vadd.f32 v5, v26;
	v5 =	vnsel vm3, $0xF149F2CA, v50;
	v52 =	vpop (erf)  }
0x1e5: {  	(erf) = vpow2.f32 v25;
	v27 =	vmul.f32 v52, v41;
	v25 =	vmax.f32 v38, v5  }
0x1e6: {  	v44 =	vmul.f32 v63, v44;
	(erf) = vrcp.f32 v24;
	v53 =	vpop (erf);
	v38 =	vsub.f32 v38, v25  }
0x1e7: {  	v23 =	vadd.f32 v14, v18;
	(erf) = vrcp.f32 v22;
	v42 =	vmul.f32 v53, v39;
	[tilespmem:s1+$0x80] =	vst v27  }
0x1e8: {  	v5 =	vsub.f32 v5, v25;
	(erf) = vrcp.f32 v8;
	v18 =	vld [tilespmem:s9+$0x2];
	v14 =	vmul.f32 $1.442695020e+00, v38  }
0x1e9: {  	v10 =	vmul.f32 v20, v10;
	v13 =	vmul.f32 v26, v13;
	v31 =	vadd.f32 v44, v62;
	[tilespmem:s31+$0x80] =	vst v42  }
0x1ea: {  	v5 =	vmul.f32 $1.442695020e+00, v5;
	v27 =	vpop (erf);
	v20 =	vld [tilespmem:s9+$0x12];
	(erf) = vpow2.f32 v14  }
0x1eb: {  	v14 =	vadd.f32 v13, v6;
	v6 =	vld [tilespmem:s9+$0x212];
	v27 =	vmul.f32 v27, v31  }
0x1ec: {  	v19 =	vmul.f32 v21, v19;
	v54 =	vadd.f32 $6.000000000e+00, v17;
	v56 =	vpop (erf);
	(erf) = vpow2.f32 v5  }
0x1ed: {  	v55 =	vadd.f32 $6.000000000e+00, v12;
	[tilespmem:s0+$0x80] =	vst v27;
	v5 =	vmul.f32 v56, v40;
	v18 =	vnsel vm15, $0xF149F2CA, v18  }
0x1ee: {  	v13 =	vadd.f32 v19, v10;
	v19 =	vadd.f32 $6.000000000e+00, v15;
	v21 =	vpop (erf);
	v27 =	vld [tilespmem:s9+$0x22];
	v10 =	vmax.f32 v33, v18  }
0x1ef: {  	v57 =	vpop (erf);
	v5 =	vadd.f32 v5, v21;
	v33 =	vsub.f32 v33, v10  }
0x1f0: {  	v20 =	vnsel vm0, $0xF149F2CA, v20;
	v58 =	vsub.f32 v18, v10;
	v60 =	vpop (erf);
	v45 =	vnsel vm0, $0x0, v6;
	v6 =	vld [tilespmem:s16+$0x237]  }
0x1f1: {  	v18 =	vmax.f32 v29, v20;
	v61 =	vpop (erf);
	(erf) = vrcp.f32 v5;
	v5 =	vmul.f32 $1.442695020e+00, v33  }
0x1f2: {  	vm2 =	vle.f32 v19, v11;
	v38 =	vmul.f32 v57, v23;
	v20 =	vsub.f32 v20, v18  }
0x1f3: {  	s19 =	sadd.s32 $0xFFFFFFD0, s15;
	v29 =	vsub.f32 v29, v18;
	v27 =	vnsel vm1, $0xF149F2CA, v27;
	(erf) = vpow2.f32 v5;
	v63 =	vpop (erf)  }
0x1f4: {  	s8 =	sor.u32 $0x280, s19;
	v5 =	vmul.f32 $1.442695020e+00, v20;
	v19 =	vmax.f32 v28, v27;
	v20 =	vmul.f32 v63, v35  }
0x1f5: {  	v26 =	vld [tilespmem:s9+$0x202];
	[tilespmem:s8+$0x600] =	vst v38;
	v29 =	vmul.f32 $1.442695020e+00, v29;
	v28 =	vsub.f32 v28, v19;
	v6 =	vnsel vm4, $0x0, v6;
	v48 =	vpop (erf)  }
0x1f6: {  	v37 =	vmul.f32 v56, v37;
	v38 =	vld [tilespmem:s16+$0x6];
	v6 =	vmul.f32 v21, v6;
	v20 =	vadd.f32 v20, v48  }
0x1f7: {  	v27 =	vsub.f32 v27, v19;
	(erf) = vpow2.f32 v29;
	v21 =	vmul.f32 $1.442695020e+00, v28  }
0x1f8: {  	v17 =	vadd.f32 $7.000000000e+00, v17;
	v51 =	vld [tilespmem:s9+$0x232];
	v62 =	vmul.f32 $1.442695020e+00, v58;
	(erf) = vrcp.f32 v20  }
0x1f9: {  	v27 =	vmul.f32 $1.442695020e+00, v27;
	v6 =	vadd.f32 v6, v37;
	(erf) = vpow2.f32 v21  }
0x1fa: {  	s2 =	sadd.s32 $0xFFFFFFE0, s15;
	vm8 =	vle.f32 v54, v16;
	v59 =	vld [tilespmem:s9+$0x222];
	v21 =	vmul.f32 v60, v14;
	v52 =	vpop (erf);
	(erf) = vpow2.f32 v62  }
0x1fb: {  	s7 =	sor.u32 $0x280, s2;
	v53 =	vnsel vm9, $0xF149F2CA, v38;
	v6 =	vmul.f32 v52, v6;
	(erf) = vpow2.f32 v5  }
0x1fc: {  	s11 =	sadd.s32 $0xFFFFFFF0, s15;
	s6 =	sadd.s32 s6, s18;
	s10 =	sor.u32 $0x380, s15;
	vm7 =	vle.f32 v55, v9;
	v5 =	vmax.f32 v7, v53;
	[tilespmem:s7+$0x600] =	vst v21;
	v21 =	vmul.f32 v61, v13  }
0x1fd: {  	s26 =	sor.u32 $0x200, s6;
	s4 =	sor.u32 $0x300, s6;
	s6 =	sor.u32 $0x280, s11;
	v54 =	vpop (erf);
	(erf) = vpow2.f32 v27;
	v7 =	vsub.f32 v7, v5;
	[tilespmem:s10+$0x600] =	vst v6;
	v6 =	vnsel vm3, $0x0, v51  }
0x1fe: {  	v26 =	vnsel vm15, $0x0, v26;
	[tilespmem:s6+$0x600] =	vst v21;
	v21 =	vmul.f32 v63, v36;
	v57 =	vmul.f32 v48, v6  }
0x1ff: {  	vm15 =	vle.f32 v17, v16;
	v50 =	vnsel vm1, $0x0, v59;
	v7 =	vmul.f32 $1.442695020e+00, v7  }
0x200: {  	v27 =	vsub.f32 v53, v5;
	v55 =	vld [tilespmem:s16+$0x16];
	v34 =	vmul.f32 v54, v34;
	v21 =	vadd.f32 v57, v21;
	v6 =	vpop (erf)  }
0x201: {  	v59 =	vadd.f32 $7.000000000e+00, v12;
	v58 =	vld [tilespmem:s16+$0x26];
	v12 =	vmul.f32 v6, v30;
	v16 =	vmul.f32 v6, v39;
	v6 =	vpop (erf)  }
0x202: {  	v29 =	vmul.f32 v54, v41;
	v41 =	vmul.f32 v6, v21;
	v17 =	vpop (erf)  }
0x203: {  	v49 =	vld [tilespmem:s16+$0x206];
	v60 =	vmul.f32 $1.442695020e+00, v27;
	v48 =	vadd.f32 $3.000000000e+00, v1;
	(erf) = vpow2.f32 v7;
	v7 =	vpop (erf)  }
0x204: {  	v62 =	vmul.f32 v17, v32;
	v31 =	vmul.f32 v17, v31;
	v17 =	vadd.f32 v34, v7;
	[tilespmem:s5+$0x100] =	vst v41;
	v27 =	vpop (erf)  }
0x205: {  	v33 =	vnsel vm5, $0xF149F2CA, v55;
	v44 =	vmul.f32 v7, v26;
	v26 =	vadd.f32 v12, v27;
	v46 =	vld [tilespmem:s9+$0x33]  }
0x206: {  	[tilespmem:$0x1FFC0] =	vst v47;
	v6 =	vmax.f32 v4, v33;
	v63 =	vnsel vm10, $0xF149F2CA, v58;
	v47 =	vpop (erf);
	(erf) = vrcp.f32 v17  }
0x207: {  	v12 =	vmul.f32 v27, v45;
	v27 =	vadd.f32 v62, v47;
	(erf) = vrcp.f32 v26  }
0x208: {  	v35 =	vnsel vm9, $0x0, v49;
	v4 =	vsub.f32 v4, v6;
	v7 =	vmax.f32 v3, v63  }
0x209: {  	vm3 =	vle.f32 v48, v2;
	v3 =	vsub.f32 v3, v7;
	(erf) = vrcp.f32 v27  }
0x20a: {  	v4 =	vmul.f32 $1.442695020e+00, v4;
	v49 =	vadd.f32 v12, v16;
	v16 =	vnsel vm3, $0xF149F2CA, v46  }
0x20b: {  	v51 =	vsub.f32 v33, v6;
	v3 =	vmul.f32 $1.442695020e+00, v3;
	v12 =	vmax.f32 v25, v16  }
0x20c: {  	v52 =	vpop (erf);
	(erf) = vpow2.f32 v4;
	v4 =	vsub.f32 v25, v12  }
0x20d: {  	v15 =	vadd.f32 $7.000000000e+00, v15;
	v25 =	vmul.f32 $1.442695020e+00, v51;
	(erf) = vpow2.f32 v3  }
0x20e: {  	(erf) = vpow2.f32 v60;
	v3 =	vmul.f32 $1.442695020e+00, v4;
	v4 =	vsub.f32 v16, v12  }
0x20f: {  	v39 =	vmul.f32 v47, v50;
	v29 =	vadd.f32 v44, v29;
	v16 =	vpop (erf);
	(erf) = vpow2.f32 v25  }
0x210: {  	vm1 =	vle.f32 v59, v9;
	v4 =	vmul.f32 $1.442695020e+00, v4;
	v9 =	vpop (erf);
	(erf) = vpow2.f32 v3  }
0x211: {  	v56 =	vld [tilespmem:s16+$0x216];
	v32 =	vsub.f32 v63, v7;
	v50 =	vadd.f32 v39, v31;
	v3 =	vmul.f32 v16, v29  }
0x212: {  	vm0 =	vle.f32 v15, v11;
	v61 =	vld [tilespmem:s16+$0x226];
	v9 =	vmul.f32 v9, v49;
	v11 =	vpop (erf);
	(erf) = vpow2.f32 v4  }
0x213: {  	v53 =	vmul.f32 $1.442695020e+00, v32;
	v11 =	vmul.f32 v11, v50;
	[tilespmem:s1+$0x100] =	vst v3  }
0x214: {  	v3 =	vld [tilespmem:s9+$0x3];
	[tilespmem:s31+$0x100] =	vst v9  }
0x215: {  	v24 =	vmul.f32 v52, v24;
	(erf) = vpow2.f32 v53;
	v4 =	vpop (erf);
	v15 =	vld [tilespmem:s9+$0x13];
	[tilespmem:s0+$0x100] =	vst v11  }
0x216: {  	v11 =	vmul.f32 v4, v22;
	v4 =	vmul.f32 v4, v14;
	v14 =	vld [tilespmem:s9+$0x23];
	v9 =	vpop (erf)  }
0x217: {  	v54 =	vnsel vm5, $0x0, v56;
	v55 =	vnsel vm10, $0x0, v61;
	v25 =	vmul.f32 v9, v8;
	v8 =	vpop (erf)  }
0x218: {  	v56 =	vmul.f32 v9, v13;
	v9 =	vadd.f32 v24, v8;
	v35 =	vmul.f32 v8, v35;
	v13 =	vpop (erf)  }
0x219: {  	v3 =	vnsel vm14, $0xF149F2CA, v3;
	v59 =	vpop (erf);
	v8 =	vadd.f32 v11, v13;
	v32 =	vmul.f32 v13, v54  }
0x21a: {  	v13 =	vmax.f32 v10, v3;
	v11 =	vnsel vm13, $0xF149F2CA, v15;
	v60 =	vmul.f32 v59, v20  }
0x21b: {  	v10 =	vsub.f32 v10, v13;
	v15 =	vmax.f32 v18, v11;
	v14 =	vnsel vm12, $0xF149F2CA, v14;
	v61 =	vpop (erf)  }
0x21c: {  	v18 =	vsub.f32 v18, v15;
	v16 =	vmax.f32 v19, v14;
	v24 =	vadd.f32 v60, v61  }
0x21d: {  	v10 =	vmul.f32 $1.442695020e+00, v10;
	v19 =	vsub.f32 v19, v16  }
0x21e: {  	v62 =	vld [tilespmem:s9+$0x233];
	v3 =	vsub.f32 v3, v13;
	v20 =	vpop (erf);
	v18 =	vmul.f32 $1.442695020e+00, v18;
	(erf) = vrcp.f32 v24  }
0x21f: {  	v11 =	vsub.f32 v11, v15;
	v19 =	vmul.f32 $1.442695020e+00, v19;
	(erf) = vpow2.f32 v10  }
0x220: {  	v3 =	vmul.f32 $1.442695020e+00, v3;
	(erf) = vpow2.f32 v18  }
0x221: {  	v22 =	vld [tilespmem:s9+$0x203];
	v14 =	vsub.f32 v14, v16;
	v10 =	vmul.f32 $1.442695020e+00, v11;
	(erf) = vpow2.f32 v19  }
0x222: {  	(erf) = vpow2.f32 v3  }
0x223: {  	v14 =	vmul.f32 $1.442695020e+00, v14;
	v11 =	vnsel vm3, $0x0, v62;
	(erf) = vpow2.f32 v10  }
0x224: {  	v19 =	vmul.f32 v59, v21;
	v21 =	vmul.f32 v61, v11  }
0x225: {  	v23 =	vmul.f32 v52, v23  }
0x226: {  	v63 =	vnsel vm14, $0x0, v22;
	v22 =	vadd.f32 v21, v19;
	(erf) = vpow2.f32 v14  }
0x227: {  	v10 =	vadd.f32 v32, v4;
	v4 =	vmul.f32 v20, v55;
	(erf) = vrcp.f32 v9;
	v14 =	vpop (erf)  }
0x228: {  	v57 =	vld [tilespmem:s9+$0x213];
	v3 =	vadd.f32 v25, v20;
	(erf) = vrcp.f32 v8;
	v25 =	vmul.f32 v14, v22;
	v19 =	vpop (erf)  }
0x229: {  	v17 =	vmul.f32 v19, v17;
	v20 =	vmul.f32 v19, v29;
	v19 =	vpop (erf)  }
0x22a: {  	(erf) = vrcp.f32 v3;
	v14 =	vpop (erf)  }
0x22b: {  	v58 =	vld [tilespmem:s9+$0x223];
	v11 =	vadd.f32 v35, v23;
	v21 =	vmul.f32 v19, v26;
	[tilespmem:s5+$0x180] =	vst v25;
	v25 =	vmul.f32 v14, v27;
	v27 =	vpop (erf)  }
0x22c: {  	v23 =	vmul.f32 v19, v49;
	v26 =	vmul.f32 v14, v50;
	v14 =	vld [tilespmem:s9+$0x34];
	v19 =	vadd.f32 v17, v27;
	v45 =	vpop (erf)  }
0x22d: {  	v46 =	vadd.f32 $4.000000000e+00, v1;
	v18 =	vnsel vm13, $0x0, v57;
	v17 =	vadd.f32 v21, v45  }
0x22e: {  	vm10 =	vmmov vm2;
	v21 =	vmul.f32 v45, v18;
	(erf) = vrcp.f32 v19  }
0x22f: {  	vm2 =	vle.f32 v46, v2;
	v44 =	vmul.f32 v27, v63;
	v27 =	vpop (erf);
	(erf) = vrcp.f32 v17  }
0x230: {  	v43 =	vnsel vm12, $0x0, v58;
	v18 =	vadd.f32 v25, v27;
	v25 =	vpop (erf);
	v21 =	vadd.f32 v21, v23  }
0x231: {  	v23 =	vmul.f32 v27, v43;
	v27 =	vnsel vm2, $0xF149F2CA, v14;
	v25 =	vmul.f32 v25, v11  }
0x232: {  	v58 =	vld [tilespmem:$0x1FFA0];
	v4 =	vadd.f32 v4, v56;
	v47 =	vpop (erf);
	(erf) = vrcp.f32 v18;
	v14 =	vmax.f32 v12, v27  }
0x233: {  	v55 =	vld [tilespmem:$0x1FF90];
	v48 =	vpop (erf);
	v23 =	vadd.f32 v23, v26;
	v26 =	vmul.f32 v47, v10;
	v12 =	vsub.f32 v12, v14;
	[tilespmem:s23+$0x600] =	vst v25  }
0x234: {  	v25 =	vmul.f32 v48, v4;
	v50 =	vld [tilespmem:s16+$0x7]  }
0x235: {  	v60 =	vld [tilespmem:$0x1FFB0];
	v49 =	vsub.f32 v27, v14;
	[tilespmem:s21+$0x600] =	vst v26;
	v12 =	vmul.f32 $1.442695020e+00, v12  }
0x236: {  	v20 =	vadd.f32 v44, v20;
	v26 =	vld [tilespmem:s16+$0x17];
	[tilespmem:s20+$0x600] =	vst v25  }
0x237: {  	v25 =	vmul.f32 $1.442695020e+00, v49;
	(erf) = vpow2.f32 v12;
	v12 =	vld [tilespmem:s16+$0x27];
	v27 =	vpop (erf)  }
0x238: {  	vm9 =	vmmov vm8;
	vm8 =	vnez.u8 v55;
	v51 =	vld [tilespmem:s16+$0x207];
	v52 =	vmul.f32 v27, v20;
	v53 =	vpop (erf)  }
0x239: {  	v54 =	vld [tilespmem:s16+$0x217];
	(erf) = vpow2.f32 v25;
	v28 =	vnsel vm8, $0xF149F2CA, v50;
	v25 =	vmul.f32 v53, v21  }
0x23a: {  	vm5 =	vmmov vm7;
	vm3 =	vnez.u8 v58;
	v56 =	vld [tilespmem:s16+$0x227];
	s16 =	smov.u32 s9;
	v57 =	vmax.f32 v5, v28;
	[tilespmem:s1+$0x180] =	vst v52  }
0x23b: {  	vm7 =	vnez.u8 v60;
	v27 =	vpop (erf);
	v26 =	vnsel vm3, $0xF149F2CA, v26;
	v5 =	vsub.f32 v5, v57;
	v59 =	vld [tilespmem:s16+$0x4];
	[tilespmem:s31+$0x180] =	vst v25  }
0x23c: {  	v25 =	vmul.f32 v27, v23;
	v27 =	vmax.f32 v6, v26;
	v12 =	vnsel vm7, $0xF149F2CA, v12;
	v61 =	vld [tilespmem:s16+$0x14]  }
0x23d: {  	v6 =	vsub.f32 v6, v27;
	v62 =	vmax.f32 v7, v12  }
0x23e: {  	v5 =	vmul.f32 $1.442695020e+00, v5;
	v7 =	vsub.f32 v7, v62  }
0x23f: {  	v35 =	vsub.f32 v12, v62;
	v6 =	vmul.f32 $1.442695020e+00, v6  }
0x240: {  	v43 =	vpop (erf);
	v44 =	vmul.f32 $1.442695020e+00, v7;
	(erf) = vpow2.f32 v5;
	v33 =	vnsel vm11, $0xF149F2CA, v59  }
0x241: {  	v7 =	vmul.f32 v43, v24;
	v12 =	vmax.f32 v13, v33;
	v5 =	vnsel vm6, $0xF149F2CA, v61  }
0x242: {  	v24 =	vpop (erf);
	(erf) = vpow2.f32 v6;
	v6 =	vsub.f32 v13, v12;
	v13 =	vmax.f32 v15, v5  }
0x243: {  	[tilespmem:s0+$0x180] =	vst v25;
	v46 =	vsub.f32 v15, v13;
	v15 =	vld [tilespmem:$0x1FFC0]  }
0x244: {  	v42 =	vld [tilespmem:s16+$0x24];
	_ =	sdelay $0x2  }
0x245: {  	v47 =	vld [tilespmem:s16+$0x234]  }
0x246: {  	v25 =	vnsel vm8, $0x0, v51;
	v7 =	vadd.f32 v7, v24;
	vm8 =	vnez.u8 v15  }
0x247: {  	v6 =	vmul.f32 $1.442695020e+00, v6;
	v29 =	vnsel vm8, $0xF149F2CA, v42  }
0x248: {  	(erf) = vrcp.f32 v7;
	v15 =	vmax.f32 v16, v29  }
0x249: {  	v34 =	vmul.f32 $1.442695020e+00, v46;
	(erf) = vpow2.f32 v6;
	v16 =	vsub.f32 v16, v15  }
0x24a: {  	v50 =	vnsel vm2, $0x0, v47  }
0x24b: {  	v33 =	vsub.f32 v33, v12;
	(erf) = vpow2.f32 v34;
	v16 =	vmul.f32 $1.442695020e+00, v16  }
0x24c: {  	v52 =	vmul.f32 v24, v50;
	v5 =	vsub.f32 v5, v13  }
0x24d: {  	v33 =	vmul.f32 $1.442695020e+00, v33;
	v29 =	vsub.f32 v29, v15;
	(erf) = vpow2.f32 v16  }
0x24e: {  	s22 =	sadd.s32 $0x4, s22;
	s29 =	sor.u32 $0x200, s30;
	s12 =	sor.u32 $0x300, s30;
	v28 =	vsub.f32 v28, v57;
	v5 =	vmul.f32 $1.442695020e+00, v5;
	v51 =	vpop (erf);
	v16 =	vmul.f32 v43, v22  }
0x24f: {  	s30 =	sor.u32 $0x380, s19;
	s19 =	sor.u32 $0x380, s11;
	s11 =	sand.u32 $0x7, s22;
	v26 =	vsub.f32 v26, v27;
	v53 =	vpop (erf);
	v29 =	vmul.f32 $1.442695020e+00, v29;
	(erf) = vpow2.f32 v33  }
0x250: {  	v27 =	vld [tilespmem:s16+$0x214];
	v28 =	vmul.f32 $1.442695020e+00, v28;
	s0 =	sshll.u32 s11, $0x4;
	v16 =	vadd.f32 v52, v16;
	(erf) = vpow2.f32 v5  }
0x251: {  	v30 =	vnsel vm7, $0x0, v56;
	v63 =	vld [tilespmem:s16+$0x204];
	v26 =	vmul.f32 $1.442695020e+00, v26;
	s0 =	sadd.s32 s18, s0;
	v22 =	vpop (erf);
	(erf) = vpow2.f32 v29  }
0x252: {  	s10 =	sadd.s32 $0x30, s0;
	v24 =	vnsel vm3, $0x0, v54;
	v55 =	vmul.f32 v53, v8;
	v54 =	vpop (erf);
	v22 =	vmul.f32 v22, v16  }
0x253: {  	vm2 =	vmmov vm1;
	v45 =	vld [tilespmem:s16+$0x224];
	s31 =	sor.u32 $0x200, s10;
	v8 =	vmul.f32 v54, v19;
	(erf) = vpow2.f32 v44  }
0x254: {  	vm1 =	vmmov vm0;
	v19 =	vmul.f32 v54, v20;
	v20 =	vpop (erf);
	(erf) = vpow2.f32 v28;
	[tilespmem:s31+$0x600] =	vst v22  }
0x255: {  	v27 =	vnsel vm6, $0x0, v27;
	v17 =	vmul.f32 v20, v17;
	v22 =	vmul.f32 v20, v21;
	v20 =	vld [tilespmem:s16+$0x35]  }
0x256: {  	v6 =	vnsel vm11, $0x0, v63;
	v5 =	vmul.f32 $1.442695020e+00, v35;
	v21 =	vpop (erf);
	(erf) = vpow2.f32 v26  }
0x257: {  	v26 =	vmul.f32 v21, v18;
	v23 =	vmul.f32 v21, v23;
	v21 =	vadd.f32 $5.000000000e+00, v1  }
0x258: {  	v49 =	vnsel vm8, $0x0, v45;
	v57 =	vmul.f32 v53, v10;
	v56 =	vpop (erf);
	(erf) = vpow2.f32 v5  }
0x259: {  	v18 =	vadd.f32 v8, v56;
	v6 =	vmul.f32 v56, v6;
	v8 =	vpop (erf);
	vm0 =	vle.f32 v21, v2  }
0x25a: {  	v5 =	vadd.f32 v17, v8;
	v10 =	vmul.f32 v8, v27;
	v17 =	vnsel vm0, $0xF149F2CA, v20;
	v20 =	vpop (erf)  }
0x25b: {  	(erf) = vrcp.f32 v18;
	v8 =	vadd.f32 v26, v20;
	v21 =	vmax.f32 v14, v17  }
0x25c: {  	v9 =	vmul.f32 v51, v9;
	v26 =	vpop (erf);
	(erf) = vrcp.f32 v5;
	v14 =	vsub.f32 v14, v21  }
0x25d: {  	v27 =	vmul.f32 v20, v49;
	v20 =	vadd.f32 v6, v19;
	v58 =	vpop (erf);
	(erf) = vrcp.f32 v8  }
0x25e: {  	v6 =	vadd.f32 v10, v22;
	v17 =	vsub.f32 v17, v21;
	v14 =	vmul.f32 $1.442695020e+00, v14  }
0x25f: {  	v10 =	vadd.f32 v27, v23;
	v23 =	vadd.f32 v9, v58;
	v22 =	vpop (erf)  }
0x260: {  	v17 =	vmul.f32 $1.442695020e+00, v17;
	(erf) = vpow2.f32 v14;
	v14 =	vadd.f32 v55, v22  }
0x261: {  	v3 =	vmul.f32 v26, v3;
	(erf) = vrcp.f32 v23  }
0x262: {  	v9 =	vpop (erf);
	(erf) = vpow2.f32 v17  }
0x263: {  	v4 =	vmul.f32 v26, v4;
	v3 =	vadd.f32 v3, v9  }
0x264: {  	v9 =	vmul.f32 v9, v30;
	(erf) = vrcp.f32 v14;
	v14 =	vpop (erf)  }
0x265: {  	(erf) = vrcp.f32 v3;
	v3 =	vmul.f32 v14, v20;
	v14 =	vpop (erf)  }
0x266: {  	v11 =	vmul.f32 v51, v11;
	v9 =	vadd.f32 v9, v4;
	v4 =	vmul.f32 v14, v6;
	v14 =	vpop (erf)  }
0x267: {  	v19 =	vmul.f32 v58, v25;
	[tilespmem:s26+$0x600] =	vst v3;
	v3 =	vmul.f32 v14, v10  }
0x268: {  	v48 =	vld [tilespmem:$0x1FFD0]  }
0x269: {  	v11 =	vadd.f32 v19, v11;
	v14 =	vld [tilespmem:s16+$0x5];
	[tilespmem:s29+$0x600] =	vst v3;
	v23 =	vpop (erf)  }
0x26a: {  	s20 =	smov.u32 s12;
	s12 =	sadd.s32 $0x10, s0;
	v3 =	vld [tilespmem:s16+$0x25];
	v27 =	vmul.f32 v23, v7;
	v17 =	vpop (erf)  }
0x26b: {  	s13 =	sor.u32 $0x200, s12;
	v25 =	vpop (erf);
	v59 =	vmul.f32 v17, v11;
	v17 =	vld [tilespmem:$0x1FFE0]  }
0x26c: {  	v19 =	vmul.f32 v22, v24;
	[tilespmem:s13+$0x600] =	vst v4;
	v22 =	vadd.f32 v27, v25;
	v27 =	vld [tilespmem:$0x1FFF0]  }
0x26d: {  	v4 =	vld [tilespmem:s16+$0x15]  }
0x26e: {  	v19 =	vadd.f32 v19, v57  }
0x26f: {  	vm6 =	vnez.u8 v48;
	vm3 =	vmmov vm15;
	v23 =	vmul.f32 v23, v16;
	v7 =	vpop (erf)  }
0x270: {  	v19 =	vmul.f32 v7, v19;
	v61 =	vnsel vm6, $0xF149F2CA, v3;
	vm7 =	vnez.u8 v17  }
0x271: {  	v24 =	vld [tilespmem:s16+$0x205];
	v3 =	vmax.f32 v15, v61;
	v14 =	vnsel vm7, $0xF149F2CA, v14;
	vm8 =	vnez.u8 v27  }
0x272: {  	s24 =	sadd.s32 $0x4, s24;
	s28 =	sor.u32 $0x380, s2;
	v60 =	vld [tilespmem:s16+$0x235];
	v15 =	vsub.f32 v15, v3;
	v7 =	vmax.f32 v12, v14;
	v27 =	vnsel vm8, $0xF149F2CA, v4  }
0x273: {  	p1 =	slt.u32 s24, $0xC;
	v26 =	vld [tilespmem:s16+$0x215];
	[tilespmem:s28+$0x600] =	vst v19;
	v19 =	vsub.f32 v61, v3;
	v12 =	vsub.f32 v12, v7;
	v4 =	vmax.f32 v13, v27  }
.Ltmp0:
0x274: {  	v11 =	vpop (erf);
	(erf) = vrcp.f32 v22;
	v14 =	vsub.f32 v14, v7;
	v13 =	vsub.f32 v13, v4;
	(pc) =	sbr.rel @p1 .LBB2_2-.Ltmp0, $4  }
0x275: {  	v15 =	vmul.f32 $1.442695020e+00, v15;
	v27 =	vsub.f32 v27, v4;
	v62 =	vmul.f32 $1.442695020e+00, v12  }
0x276: {  	v12 =	vmul.f32 $1.442695020e+00, v14;
	v14 =	vnsel vm7, $0x0, v24;
	v63 =	vmul.f32 $1.442695020e+00, v13  }
0x277: {  	s25 =	sadd.s32 $0x2, s25;
	v13 =	vnsel vm0, $0x0, v60;
	v16 =	vmul.f32 $1.442695020e+00, v27;
	(erf) = vpow2.f32 v62  }
0x278: {  	p0 =	por !p0, !p0;
	s23 =	smov.u32 s4;
	s21 =	sor.u32 $0x300, s12;
	[tilespmem:s30+$0x600] =	vst v59;
	v17 =	vld [tilespmem:s16+$0x225];
	v24 =	vmul.f32 v25, v13;
	v13 =	vnsel vm8, $0x0, v26;
	(erf) = vpow2.f32 v63  }
0x279: {  	_ =	sdelay $0x2  }
0x27a: {  	v23 =	vadd.f32 v24, v23  }
0x27b: {  	v31 =	vpop (erf)  }
0x27c: {  	s0 =	sadd.s32 $0x240, s15;
	v24 =	vmul.f32 v31, v23  }
0x27d: {  	s1 =	sor.u32 $0x280, s0  }
0x27e: {  	[tilespmem:s1+$0x600] =	vst v24  }
0x27f: {  	v24 =	vld [tilespmem:s16+$0x36];
	_ =	sdelay $0x1  }
0x280: {  	v25 =	vadd.f32 $6.000000000e+00, v1;
	_ =	sdelay $0x1  }
0x281: {  	vm0 =	vle.f32 v25, v2  }
0x282: {  	v24 =	vnsel vm0, $0xF149F2CA, v24  }
0x283: {  	v32 =	vmax.f32 v21, v24  }
0x284: {  	(erf) = vpow2.f32 v15;
	v33 =	vsub.f32 v21, v32  }
0x285: {  	v19 =	vmul.f32 $1.442695020e+00, v19;
	(erf) = vpow2.f32 v12  }
0x286: {  	(erf) = vpow2.f32 v16;
	v35 =	vsub.f32 v24, v32;
	v34 =	vmul.f32 $1.442695020e+00, v33  }
0x287: {  	(erf) = vpow2.f32 v19  }
0x288: {  	v15 =	vmul.f32 $1.442695020e+00, v35;
	(erf) = vpow2.f32 v34;
	_ =	sdelay $0x1  }
0x289: {  	(erf) = vpow2.f32 v15  }
0x28a: {  	v36 =	vpop (erf)  }
0x28b: {  	v37 =	vpop (erf)  }
0x28c: {  	v38 =	vpop (erf)  }
0x28d: {  	v39 =	vpop (erf)  }
0x28e: {  	v40 =	vpop (erf)  }
0x28f: {  	v26 =	vpop (erf)  }
0x290: {  	v12 =	vpop (erf)  }
0x291: {  	v22 =	vmul.f32 v12, v22  }
0x292: {  	v27 =	vpop (erf)  }
0x293: {  	v22 =	vadd.f32 v22, v27;
	_ =	sdelay $0x1  }
0x294: {  	v28 =	vld [tilespmem:s16+$0x236];
	(erf) = vrcp.f32 v22;
	_ =	sdelay $0x4  }
0x295: {  	v28 =	vnsel vm0, $0x0, v28  }
0x296: {  	v12 =	vmul.f32 v12, v23;
	v41 =	vmul.f32 v27, v28;
	_ =	sdelay $0x1  }
0x297: {  	v12 =	vadd.f32 v41, v12  }
0x298: {  	v42 =	vpop (erf)  }
0x299: {  	v23 =	vmul.f32 v42, v12  }
0x29a: {  	s22 =	sor.u32 $0x300, s10  }
0x29b: {  	[tilespmem:s22+$0x600] =	vst v23  }
0x29c: {  	v23 =	vld [tilespmem:s16+$0x37];
	_ =	sdelay $0x1  }
0x29d: {  	v1 =	vadd.f32 $7.000000000e+00, v1;
	_ =	sdelay $0x1  }
0x29e: {  	vm15 =	vle.f32 v1, v2  }
0x29f: {  	v1 =	vnsel vm15, $0xF149F2CA, v23  }
0x2a0: {  	v2 =	vmax.f32 v32, v1  }
0x2a1: {  	v43 =	vsub.f32 v32, v2  }
0x2a2: {  	v1 =	vsub.f32 v1, v2  }
0x2a3: {  	v2 =	vmul.f32 v36, v18;
	v44 =	vmul.f32 $1.442695020e+00, v43  }
0x2a4: {  	v5 =	vmul.f32 v37, v5;
	v1 =	vmul.f32 $1.442695020e+00, v1  }
0x2a5: {  	v8 =	vmul.f32 v38, v8;
	v45 =	vadd.f32 v2, v39;
	(erf) = vpow2.f32 v44  }
0x2a6: {  	v5 =	vadd.f32 v5, v40;
	(erf) = vpow2.f32 v1  }
0x2a7: {  	v8 =	vadd.f32 v8, v26;
	(erf) = vrcp.f32 v45  }
0x2a8: {  	(erf) = vrcp.f32 v5  }
0x2a9: {  	(erf) = vrcp.f32 v8;
	_ =	sdelay $0x1  }
0x2aa: {  	v2 =	vmul.f32 v36, v20;
	_ =	sdelay $0x1  }
0x2ab: {  	v14 =	vmul.f32 v39, v14  }
0x2ac: {  	v46 =	vnsel vm6, $0x0, v17;
	v6 =	vmul.f32 v37, v6;
	v13 =	vmul.f32 v40, v13;
	v1 =	vpop (erf)  }
0x2ad: {  	v10 =	vmul.f32 v38, v10;
	v15 =	vmul.f32 v26, v46;
	v14 =	vadd.f32 v14, v2;
	v2 =	vpop (erf)  }
0x2ae: {  	v6 =	vadd.f32 v13, v6;
	v47 =	vpop (erf)  }
0x2af: {  	s24 =	sadd.s32 $0xFFFFFFD0, s0;
	v10 =	vadd.f32 v15, v10;
	v48 =	vpop (erf);
	v13 =	vmul.f32 v47, v14  }
0x2b0: {  	s4 =	sadd.s32 $0xFFFFFFE0, s0;
	s2 =	sor.u32 $0x280, s24;
	v49 =	vpop (erf);
	v15 =	vmul.f32 v48, v6  }
0x2b1: {  	s5 =	sadd.s32 $0xFFFFFFF0, s0;
	s6 =	sor.u32 $0x280, s4;
	[tilespmem:s2+$0x600] =	vst v13;
	v50 =	vmul.f32 v49, v10  }
0x2b2: {  	s25 =	sor.u32 $0x280, s5;
	v51 =	vld [tilespmem:s16+$0x6];
	[tilespmem:s6+$0x600] =	vst v15  }
0x2b3: {  	v15 =	vld [tilespmem:s16+$0x16];
	[tilespmem:s25+$0x600] =	vst v50  }
0x2b4: {  	v13 =	vld [tilespmem:s16+$0x26];
	_ =	sdelay $0x2  }
0x2b5: {  	v16 =	vnsel vm9, $0xF149F2CA, v51  }
0x2b6: {  	v52 =	vmul.f32 v1, v22;
	v53 =	vmax.f32 v7, v16;
	v15 =	vnsel vm5, $0xF149F2CA, v15  }
0x2b7: {  	v7 =	vsub.f32 v7, v53;
	v54 =	vmax.f32 v4, v15;
	v13 =	vnsel vm10, $0xF149F2CA, v13  }
0x2b8: {  	v17 =	vadd.f32 v52, v2;
	v55 =	vmax.f32 v3, v13;
	v4 =	vsub.f32 v4, v54  }
0x2b9: {  	v7 =	vmul.f32 $1.442695020e+00, v7;
	v3 =	vsub.f32 v3, v55  }
0x2ba: {  	(erf) = vrcp.f32 v17;
	v16 =	vsub.f32 v16, v53;
	v4 =	vmul.f32 $1.442695020e+00, v4  }
0x2bb: {  	v56 =	vsub.f32 v15, v54;
	(erf) = vpow2.f32 v7;
	v3 =	vmul.f32 $1.442695020e+00, v3  }
0x2bc: {  	v57 =	vmul.f32 $1.442695020e+00, v16;
	v13 =	vsub.f32 v13, v55;
	(erf) = vpow2.f32 v4  }
0x2bd: {  	v58 =	vmul.f32 $1.442695020e+00, v56;
	(erf) = vpow2.f32 v3  }
0x2be: {  	v3 =	vmul.f32 $1.442695020e+00, v13;
	(erf) = vpow2.f32 v57  }
0x2bf: {  	(erf) = vpow2.f32 v58  }
0x2c0: {  	(erf) = vpow2.f32 v3;
	_ =	sdelay $0x2  }
0x2c1: {  	v3 =	vpop (erf)  }
0x2c2: {  	v59 =	vpop (erf)  }
0x2c3: {  	v60 =	vpop (erf)  }
0x2c4: {  	v61 =	vmul.f32 v59, v45;
	v62 =	vpop (erf)  }
0x2c5: {  	v5 =	vmul.f32 v60, v5;
	v63 =	vpop (erf)  }
0x2c6: {  	v8 =	vmul.f32 v62, v8;
	v13 =	vadd.f32 v61, v63;
	v28 =	vpop (erf)  }
0x2c7: {  	v5 =	vadd.f32 v5, v28;
	v29 =	vpop (erf)  }
0x2c8: {  	v30 =	vld [tilespmem:s16+$0x206];
	v8 =	vadd.f32 v8, v29;
	(erf) = vrcp.f32 v13  }
0x2c9: {  	v31 =	vld [tilespmem:s16+$0x216];
	(erf) = vrcp.f32 v5  }
0x2ca: {  	v32 =	vld [tilespmem:s16+$0x226];
	(erf) = vrcp.f32 v8;
	_ =	sdelay $0x2  }
0x2cb: {  	v22 =	vnsel vm9, $0x0, v30  }
0x2cc: {  	v23 =	vnsel vm5, $0x0, v31;
	v4 =	vmul.f32 v59, v14;
	v33 =	vmul.f32 v63, v22  }
0x2cd: {  	v34 =	vnsel vm10, $0x0, v32;
	v6 =	vmul.f32 v60, v6;
	v35 =	vmul.f32 v28, v23  }
0x2ce: {  	v10 =	vmul.f32 v62, v10;
	v4 =	vadd.f32 v33, v4;
	v36 =	vmul.f32 v29, v34  }
0x2cf: {  	v6 =	vadd.f32 v35, v6;
	v37 =	vpop (erf)  }
0x2d0: {  	v10 =	vadd.f32 v36, v10;
	v38 =	vpop (erf);
	v7 =	vmul.f32 v37, v4  }
0x2d1: {  	v39 =	vpop (erf);
	v14 =	vmul.f32 v38, v6  }
0x2d2: {  	[tilespmem:s23+$0x600] =	vst v7;
	v40 =	vmul.f32 v39, v10  }
0x2d3: {  	v41 =	vld [tilespmem:s16+$0x7];
	[tilespmem:s21+$0x600] =	vst v14  }
0x2d4: {  	v14 =	vld [tilespmem:s16+$0x17];
	[tilespmem:s20+$0x600] =	vst v40  }
0x2d5: {  	v7 =	vld [tilespmem:s16+$0x27];
	_ =	sdelay $0x2  }
0x2d6: {  	v15 =	vnsel vm3, $0xF149F2CA, v41  }
0x2d7: {  	v42 =	vmax.f32 v53, v15;
	v14 =	vnsel vm2, $0xF149F2CA, v14  }
0x2d8: {  	v43 =	vmax.f32 v54, v14;
	v7 =	vnsel vm1, $0xF149F2CA, v7;
	v18 =	vsub.f32 v53, v42  }
0x2d9: {  	v19 =	vsub.f32 v54, v43;
	v44 =	vmax.f32 v55, v7  }
0x2da: {  	v20 =	vsub.f32 v55, v44;
	v18 =	vmul.f32 $1.442695020e+00, v18  }
0x2db: {  	v15 =	vsub.f32 v15, v42;
	v45 =	vmul.f32 $1.442695020e+00, v19  }
0x2dc: {  	v14 =	vsub.f32 v14, v43;
	v46 =	vmul.f32 $1.442695020e+00, v20;
	(erf) = vpow2.f32 v18  }
0x2dd: {  	v15 =	vmul.f32 $1.442695020e+00, v15;
	v7 =	vsub.f32 v7, v44;
	(erf) = vpow2.f32 v45  }
0x2de: {  	v14 =	vmul.f32 $1.442695020e+00, v14;
	(erf) = vpow2.f32 v46  }
0x2df: {  	v7 =	vmul.f32 $1.442695020e+00, v7;
	(erf) = vpow2.f32 v15  }
0x2e0: {  	(erf) = vpow2.f32 v14  }
0x2e1: {  	(erf) = vpow2.f32 v7;
	_ =	sdelay $0x3  }
0x2e2: {  	v47 =	vpop (erf)  }
0x2e3: {  	v48 =	vpop (erf)  }
0x2e4: {  	v50 =	vld [tilespmem:s16+$0x237];
	v13 =	vmul.f32 v47, v13;
	v49 =	vpop (erf)  }
0x2e5: {  	v5 =	vmul.f32 v48, v5;
	v51 =	vpop (erf)  }
0x2e6: {  	v8 =	vmul.f32 v49, v8;
	v13 =	vadd.f32 v13, v51;
	v52 =	vpop (erf)  }
0x2e7: {  	v55 =	vld [tilespmem:s16+$0x217];
	v5 =	vadd.f32 v5, v52;
	v53 =	vpop (erf)  }
0x2e8: {  	v54 =	vld [tilespmem:s16+$0x207];
	(erf) = vrcp.f32 v13;
	v8 =	vadd.f32 v8, v53  }
0x2e9: {  	v1 =	vmul.f32 v1, v12;
	v56 =	vnsel vm15, $0x0, v50;
	(erf) = vrcp.f32 v5  }
0x2ea: {  	v2 =	vmul.f32 v2, v56;
	v57 =	vld [tilespmem:s16+$0x227];
	(erf) = vrcp.f32 v8;
	_ =	sdelay $0x1  }
0x2eb: {  	v1 =	vadd.f32 v2, v1;
	v58 =	vmul.f32 v11, v9;
	v59 =	vnsel vm2, $0x0, v55  }
0x2ec: {  	v2 =	vnsel vm3, $0x0, v54;
	v6 =	vmul.f32 v48, v6;
	v8 =	vmul.f32 v52, v59  }
0x2ed: {  	v4 =	vmul.f32 v47, v4;
	v2 =	vmul.f32 v51, v2  }
0x2ee: {  	v1 =	vmul.f32 v3, v1;
	v60 =	vnsel vm1, $0x0, v57;
	v3 =	vadd.f32 v8, v6  }
0x2ef: {  	v61 =	vmul.f32 v49, v10;
	v2 =	vadd.f32 v2, v4;
	v7 =	vmul.f32 v53, v60  }
0x2f0: {  	v62 =	vpop (erf)  }
0x2f1: {  	s0 =	sor.u32 $0x380, s0;
	[tilespmem:s19+$0x600] =	vst v58;
	v4 =	vadd.f32 v7, v61;
	v2 =	vmul.f32 v62, v2;
	v63 =	vpop (erf)  }
0x2f2: {  	s1 =	sor.u32 $0x380, s24;
	[tilespmem:s0+$0x600] =	vst v1;
	v1 =	vmul.f32 v63, v3;
	v3 =	vpop (erf)  }
0x2f3: {  	s26 =	sor.u32 $0x380, s4;
	[tilespmem:s1+$0x600] =	vst v2;
	v2 =	vmul.f32 v3, v4  }
0x2f4: {  	s28 =	sor.u32 $0x380, s5;
	[tilespmem:s26+$0x600] =	vst v1  }
0x2f5: {  	s11 =	simm.s32 $0x0;
	[tilespmem:s28+$0x600] =	vst v2  }
0x2f6: {  	s29 =	simm.s32 $0x600;
	s30 =	simm.s32 $0x2;
	s0 =	rddreg [dreg:$0x7]  }
0x2f7: {  	[hbm4b:s0+s11] =	stream.linear.scatter [tilespmem:s29], [sflag:$0x2], $0x800, $0x38;
	[tilespmem:$0xE00] =	vst v63  }
0x2f8: {  	_ =	swait.ge [sflag:s30], $0x800  }
0x2f9: {  	s14 =	sadd.s32 $0x1, s14;
	s31 =	rddreg [dreg:$0x8]  }
0x2fa: {  	p0 =	sne.s32 s14, s31  }
.Ltmp1:
0x2fb: {  	_ = 	snop;
	(pc) =	sbr.rel @p0 .LBB2_1-.Ltmp1, $3  }
0x2fc: {  	_ =	sdelay $0x1  }
0x2fd: {  	[sflag:s30] =	ssyncset.done $0x0  }
0x2fe: {  	[sflag:s30] =	ssyncadd.s32 $0xFFFFF800  }
0x2ff: {  	_ =	sfence.sel $0x180000  }
0x300: {  	[bflag:$0x0] =	sbarrier.arrive $0xFFFF  }
0x301: {  	_ =	strace $0x90000047  }
0x302: {  	s0 =	stileid.u32;
	[bflag:$0x2] =	sbarrier.arrive $0xFFFF  }
0x303: {  	p0 =	sne.s32 s0, $0x0;
	s0 =	rddreg [dreg:$0x2]  }
0x304: {  	s0 =	sadd.s32 @!p0 $0x100000, s0  }
0x305: {  	[sflag:s0] =	ssyncadd.tile.s32 @!p0 $0x1;
	_ =	shalt  }
.Lfunc_end2:
_tile_overlayer_lowered:
.L_overlay_start_2:
0x306: {  	(tag) =	ssettag $0x2  }
0x307: {  	s0 =	rddreg [dreg:$0x0];
	s2 =	stileid.u32  }
0x308: {  	s1 =	rddreg [dreg:$0x1];
	p0 =	sne.s32 s2, $0x0  }
0x309: {  	s3 =	rddreg [dreg:$0x2];
	[bflag:$0x3] =	sbarrier.arrive $0xFFFF;
	s2 =	simm.s32 @!p0 $0x1C02  }
0x30a: {  	[timem:s3], [sflag:s2] =	dma.local @!p0 [hbm:s0], s1  }
0x30b: {  	s0 =	simm.s32 @!p0 $0x2  }
0x30c: {  	_ =	swait.ge @!p0 [sflag:s0], s1  }
0x30d: {  	s1 =	ssub.s32 @!p0 $0x0, s1;
	[sflag:s0] =	ssyncset.done @!p0 $0x0  }
0x30e: {  	[sflag:s0] =	ssyncadd.s32 @!p0 s1  }
0x30f: {  	[bflag:$0x3] =	sbarrier.arrive $0xFFFF  }
0x310: {  	_ =	shalt  }

</sc_bundles>
